<compile_context>
chip_gen: v7x
topology: tpu7x:2x2x1
jax: 0.10.2.dev20260603
libtpu: 0.0.44.dev20260713+nightly
codegen_flags: <defaults>
</compile_context>

<pallas_src>
import jax
import jax.numpy as jnp
from jax import lax
from jax.experimental import pallas as pl
from jax.experimental.pallas import tpu as pltpu
from jax.experimental.pallas import tpu_sc as plsc

_B = 97
_L = 16
_NFULL = _B // _L
_TAIL = _B - _L * _NFULL


def _splat_i(v):
    return jnp.full((_L,), v, dtype=jnp.int32)


def _sc_body(xf_hbm, wk_hbm, st_hbm, e1_hbm, e2_hbm, w0_hbm, b0_hbm,
             w1_hbm, b1_hbm, w2_hbm, b2_hbm, out_hbm,
             xf_v, wk_v, st_v, e1_v, e2_v, w0_v, b0_v, w1_v, b1_v,
             w2_v, b2_v, out_v, sem):
    wid = lax.axis_index("s")

    def spl2(ref, r, c):
        return plsc.load_gather(ref, [_splat_i(r), _splat_i(c)])

    def spl1(ref, i):
        return plsc.load_gather(ref, [_splat_i(i)])

    def chunk(base, n):
        copies = [
            pltpu.async_copy(e1_hbm, e1_v, sem),
            pltpu.async_copy(e2_hbm, e2_v, sem),
            pltpu.async_copy(w0_hbm, w0_v.at[pl.ds(2, 3), :], sem),
            pltpu.async_copy(b0_hbm, b0_v.at[pl.ds(8, 4)], sem),
            pltpu.async_copy(w1_hbm, w1_v.at[pl.ds(2, 3), :], sem),
            pltpu.async_copy(b1_hbm, b1_v.at[pl.ds(8, 4)], sem),
            pltpu.async_copy(w2_hbm, w2_v.at[pl.ds(1, 1), :], sem),
            pltpu.async_copy(b2_hbm, b2_v.at[pl.ds(8, 8)], sem),
        ]
        if n != _L:
            xf_v[...] = jnp.zeros((_L,), jnp.float32)
            wk_v[...] = jnp.zeros((_L,), jnp.int32)
            st_v[...] = jnp.zeros((_L,), jnp.int32)
        copies += [
            pltpu.async_copy(xf_hbm.at[pl.ds(base, n)], xf_v.at[pl.ds(0, n)], sem),
            pltpu.async_copy(wk_hbm.at[pl.ds(base, n)], wk_v.at[pl.ds(0, n)], sem),
            pltpu.async_copy(st_hbm.at[pl.ds(base, n)], st_v.at[pl.ds(0, n)], sem),
        ]
        for cp in copies:
            cp.wait()

        iota = lax.iota(jnp.int32, _L)
        xf = xf_v[...]
        wk = wk_v[...]
        st = st_v[...]
        g1 = [plsc.load_gather(e1_v, [wk, _splat_i(d)]) for d in range(3)]
        g2 = [plsc.load_gather(e2_v, [st, _splat_i(d)]) for d in range(3)]

        for j in range(8):
            o = xf * spl2(w2_v, 1, j) + spl1(b2_v, 8 + j)
            plsc.store_scatter(out_v, [iota, _splat_i(j)], o)
        for j in range(4):
            o = (g2[0] * spl2(w1_v, 2, j) + g2[1] * spl2(w1_v, 3, j)
                 + g2[2] * spl2(w1_v, 4, j) + spl1(b1_v, 8 + j))
            plsc.store_scatter(out_v, [iota, _splat_i(8 + j)], o)
        for j in range(4):
            o = (g1[0] * spl2(w0_v, 2, j) + g1[1] * spl2(w0_v, 3, j)
                 + g1[2] * spl2(w0_v, 4, j) + spl1(b0_v, 8 + j))
            plsc.store_scatter(out_v, [iota, _splat_i(12 + j)], o)

        pltpu.sync_copy(out_v.at[pl.ds(0, n), :], out_hbm.at[pl.ds(base, n), :])

    @pl.when(wid < _NFULL)
    def _():
        chunk(pl.multiple_of(wid * _L, _L), _L)

    if _TAIL:
        @pl.when(wid == _NFULL)
        def _():
            chunk(_L * _NFULL, _TAIL)


@jax.jit
def _run(xf, wk, st, e1, e2, w0, b0, w1, b1, w2, b2):
    mesh = plsc.VectorSubcoreMesh(core_axis_name="c", subcore_axis_name="s",
                                  num_cores=1, num_subcores=8)
    f = pl.kernel(
        _sc_body,
        out_type=jax.ShapeDtypeStruct((_B, _L), jnp.float32),
        scratch_types=[
            pltpu.VMEM((_L,), jnp.float32),
            pltpu.VMEM((_L,), jnp.int32),
            pltpu.VMEM((_L,), jnp.int32),
            pltpu.VMEM((8, 3), jnp.float32),
            pltpu.VMEM((5, 3), jnp.float32),
            pltpu.VMEM((8, 4), jnp.float32),
            pltpu.VMEM((12,), jnp.float32),
            pltpu.VMEM((8, 4), jnp.float32),
            pltpu.VMEM((12,), jnp.float32),
            pltpu.VMEM((2, 8), jnp.float32),
            pltpu.VMEM((16,), jnp.float32),
            pltpu.VMEM((_L, _L), jnp.float32),
            pltpu.SemaphoreType.DMA,
        ],
        mesh=mesh,
        compiler_params=pltpu.CompilerParams(
            needs_layout_passes=False,
            disable_bounds_checks=True,
            disable_semaphore_checks=True,
            skip_device_barrier=True,
        ),
    )
    return f(xf, wk, st, e1, e2, w0, b0, w1, b1, w2, b2)


def kernel(X_feature, X_week, X_stamp, emb1, emb2, W0, b0, W1, b1, W2, b2):
    return _run(
        X_feature.astype(jnp.float32),
        X_week.astype(jnp.int32),
        X_stamp.astype(jnp.int32),
        emb1.astype(jnp.float32),
        emb2.astype(jnp.float32),
        W0.astype(jnp.float32),
        b0.astype(jnp.float32),
        W1.astype(jnp.float32),
        b1.astype(jnp.float32),
        W2.astype(jnp.float32),
        b2.astype(jnp.float32),
    )

# --- scband reference (transcript-rebuilt; emitter-appended) ---
"""Pipeline reference for scband-embedding-30245159699000 (READ-ONLY COPY).

The authoritative reference and input builder live on the scoring server;
editing this copy changes nothing except your own understanding.
"""

import jax, jax.numpy as jnp
import numpy as np


def setup_inputs(seed: int = 0) -> dict:
    key = jax.random.key(seed)
    ks = jax.random.split(key, 12)
    X_feature = jax.random.normal(ks[0], (97,), dtype=jnp.float32)
    X_week = jax.random.randint(ks[1], (97,), 0, 8, dtype=jnp.int64)
    X_stamp = jax.random.randint(ks[2], (97,), 0, 5, dtype=jnp.int64)
    # learned parameters
    emb1 = jax.random.normal(ks[3], (8, 3), dtype=jnp.float32)
    emb2 = jax.random.normal(ks[4], (5, 3), dtype=jnp.float32)
    W0 = jax.random.normal(ks[5], (3, 4), dtype=jnp.float32) * (1.0 / np.sqrt(3))
    b0 = jax.random.normal(ks[6], (4,), dtype=jnp.float32) * 0.01
    W1 = jax.random.normal(ks[7], (3, 4), dtype=jnp.float32) * (1.0 / np.sqrt(3))
    b1 = jax.random.normal(ks[8], (4,), dtype=jnp.float32) * 0.01
    W2 = jax.random.normal(ks[9], (1, 8), dtype=jnp.float32)
    b2 = jax.random.normal(ks[10], (8,), dtype=jnp.float32) * 0.01
    return {"X_feature": X_feature, "X_week": X_week, "X_stamp": X_stamp,
            "emb1": emb1, "emb2": emb2,
            "W0": W0, "b0": b0, "W1": W1, "b1": b1, "W2": W2, "b2": b2}


def reference(X_feature, X_week, X_stamp, emb1, emb2, W0, b0, W1, b1, W2, b2):
    # embedding lookups (gather)
    X1 = jnp.take(emb1, X_week, axis=0)                 # [97, 3]
    X1 = X1.reshape(97, 3) @ W0 + b0                    # [97, 4]
    X2 = jnp.take(emb2, X_stamp, axis=0)                # [97, 3]
    X2 = X2.reshape(97, 3) @ W1 + b1                    # [97, 4]
    X3 = X_feature.reshape(97, 1) @ W2 + b2             # [97, 8]
    return jnp.concatenate((X3, X2, X1), axis=1)        # [97, 16]

if __name__ == "__main__":
    import jax
    _d = setup_inputs()
    print(jax.jit(kernel)(*tuple(_d.values())))

</pallas_src>

<mosaic_0001>
#map = affine_map<(d0, d1) -> (0)>
#map1 = affine_map<(d0, d1) -> (0, 0)>
module attributes {stable_mosaic.version = 14 : i64} {
  func.func @_sc_body(%arg0: i32, %arg1: i32, %arg2: memref<97xf32, #tpu.memory_space<hbm>>, %arg3: memref<97xi32, #tpu.memory_space<hbm>>, %arg4: memref<97xi32, #tpu.memory_space<hbm>>, %arg5: memref<8x3xf32, #tpu.memory_space<hbm>>, %arg6: memref<5x3xf32, #tpu.memory_space<hbm>>, %arg7: memref<3x4xf32, #tpu.memory_space<hbm>>, %arg8: memref<4xf32, #tpu.memory_space<hbm>>, %arg9: memref<3x4xf32, #tpu.memory_space<hbm>>, %arg10: memref<4xf32, #tpu.memory_space<hbm>>, %arg11: memref<1x8xf32, #tpu.memory_space<hbm>>, %arg12: memref<8xf32, #tpu.memory_space<hbm>>, %arg13: memref<97x16xf32, #tpu.memory_space<hbm>>, %arg14: memref<16xf32, #tpu.memory_space<vmem>>, %arg15: memref<16xi32, #tpu.memory_space<vmem>>, %arg16: memref<16xi32, #tpu.memory_space<vmem>>, %arg17: memref<8x3xf32, #tpu.memory_space<vmem>>, %arg18: memref<5x3xf32, #tpu.memory_space<vmem>>, %arg19: memref<8x4xf32, #tpu.memory_space<vmem>>, %arg20: memref<12xf32, #tpu.memory_space<vmem>>, %arg21: memref<8x4xf32, #tpu.memory_space<vmem>>, %arg22: memref<12xf32, #tpu.memory_space<vmem>>, %arg23: memref<2x8xf32, #tpu.memory_space<vmem>>, %arg24: memref<16xf32, #tpu.memory_space<vmem>>, %arg25: memref<16x16xf32, #tpu.memory_space<vmem>>, %arg26: memref<!tpu.dma_semaphore, #tpu.memory_space<semaphore_mem>>) attributes {dimension_semantics = [#tpu.dimension_semantics<core_parallel>, #tpu.dimension_semantics<subcore_parallel>], iteration_bounds = array<i64: 1, 8>, scalar_prefetch = 0 : i64, scratch_operands = 13 : i64, tpu.core_type = #tpu.core_type<sc_vector_subcore>, window_params = [{transform_indices = #map}, {transform_indices = #map}, {transform_indices = #map}, {transform_indices = #map1}, {transform_indices = #map1}, {transform_indices = #map1}, {transform_indices = #map}, {transform_indices = #map1}, {transform_indices = #map}, {transform_indices = #map1}, {transform_indices = #map}, {transform_indices = #map1}]} {
    %lt3A = arith.constant 6 : i32
    %lt3A_0 = arith.cmpi slt, %arg1, %lt3A : i32
    %convert_element_type3A = arith.extui %lt3A_0 : i1 to i32
    %cond3A = arith.constant 0 : i32
    %cond3A_1 = arith.cmpi ne, %convert_element_type3A, %cond3A : i32
    scf.if %cond3A_1 {
      %mul3A = arith.constant 16 : i32
      %mul3A_6 = arith.muli %arg1, %mul3A : i32
      %multiple_of3A = tpu.assume_multiple %mul3A_6, 16 : i32
      tpu.enqueue_dma source(%arg5 : memref<8x3xf32, #tpu.memory_space<hbm>>) target(%arg17 : memref<8x3xf32, #tpu.memory_space<vmem>>) target_semaphore(%arg26 : memref<!tpu.dma_semaphore, #tpu.memory_space<semaphore_mem>>)
      tpu.enqueue_dma source(%arg6 : memref<5x3xf32, #tpu.memory_space<hbm>>) target(%arg18 : memref<5x3xf32, #tpu.memory_space<vmem>>) target_semaphore(%arg26 : memref<!tpu.dma_semaphore, #tpu.memory_space<semaphore_mem>>)
      %dma_start3A = arith.constant 2 : i32
      %dma_start3A_7 = arith.constant 0 : i32
      %dma_start3A_8 = tpu.memref_slice %arg19[%dma_start3A, %dma_start3A_7] : memref<8x4xf32, #tpu.memory_space<vmem>> -> memref<3x4xf32, #tpu.memory_space<vmem>>
      %dma_start3A_9 = arith.constant 2 : i32
      %dma_start3A_10 = arith.constant 0 : i32
      %dma_start3A_11 = tpu.memref_slice %arg19[%dma_start3A_9, %dma_start3A_10] : memref<8x4xf32, #tpu.memory_space<vmem>> -> memref<3x4xf32, #tpu.memory_space<vmem>>
      tpu.enqueue_dma source(%arg7 : memref<3x4xf32, #tpu.memory_space<hbm>>) target(%dma_start3A_11 : memref<3x4xf32, #tpu.memory_space<vmem>>) target_semaphore(%arg26 : memref<!tpu.dma_semaphore, #tpu.memory_space<semaphore_mem>>)
      %dma_start3A_12 = arith.constant 8 : i32
      %dma_start3A_13 = tpu.memref_slice %arg20[%dma_start3A_12] : memref<12xf32, #tpu.memory_space<vmem>> -> memref<4xf32, #tpu.memory_space<vmem>>
      %dma_start3A_14 = arith.constant 8 : i32
      %dma_start3A_15 = tpu.memref_slice %arg20[%dma_start3A_14] : memref<12xf32, #tpu.memory_space<vmem>> -> memref<4xf32, #tpu.memory_space<vmem>>
      tpu.enqueue_dma source(%arg8 : memref<4xf32, #tpu.memory_space<hbm>>) target(%dma_start3A_15 : memref<4xf32, #tpu.memory_space<vmem>>) target_semaphore(%arg26 : memref<!tpu.dma_semaphore, #tpu.memory_space<semaphore_mem>>)
      %dma_start3A_16 = arith.constant 2 : i32
      %dma_start3A_17 = arith.constant 0 : i32
      %dma_start3A_18 = tpu.memref_slice %arg21[%dma_start3A_16, %dma_start3A_17] : memref<8x4xf32, #tpu.memory_space<vmem>> -> memref<3x4xf32, #tpu.memory_space<vmem>>
      %dma_start3A_19 = arith.constant 2 : i32
      %dma_start3A_20 = arith.constant 0 : i32
      %dma_start3A_21 = tpu.memref_slice %arg21[%dma_start3A_19, %dma_start3A_20] : memref<8x4xf32, #tpu.memory_space<vmem>> -> memref<3x4xf32, #tpu.memory_space<vmem>>
      tpu.enqueue_dma source(%arg9 : memref<3x4xf32, #tpu.memory_space<hbm>>) target(%dma_start3A_21 : memref<3x4xf32, #tpu.memory_space<vmem>>) target_semaphore(%arg26 : memref<!tpu.dma_semaphore, #tpu.memory_space<semaphore_mem>>)
      %dma_start3A_22 = arith.constant 8 : i32
      %dma_start3A_23 = tpu.memref_slice %arg22[%dma_start3A_22] : memref<12xf32, #tpu.memory_space<vmem>> -> memref<4xf32, #tpu.memory_space<vmem>>
      %dma_start3A_24 = arith.constant 8 : i32
      %dma_start3A_25 = tpu.memref_slice %arg22[%dma_start3A_24] : memref<12xf32, #tpu.memory_space<vmem>> -> memref<4xf32, #tpu.memory_space<vmem>>
      tpu.enqueue_dma source(%arg10 : memref<4xf32, #tpu.memory_space<hbm>>) target(%dma_start3A_25 : memref<4xf32, #tpu.memory_space<vmem>>) target_semaphore(%arg26 : memref<!tpu.dma_semaphore, #tpu.memory_space<semaphore_mem>>)
      %dma_start3A_26 = arith.constant 1 : i32
      %dma_start3A_27 = arith.constant 0 : i32
      %dma_start3A_28 = tpu.memref_slice %arg23[%dma_start3A_26, %dma_start3A_27] : memref<2x8xf32, #tpu.memory_space<vmem>> -> memref<1x8xf32, #tpu.memory_space<vmem>>
      %dma_start3A_29 = arith.constant 1 : i32
      %dma_start3A_30 = arith.constant 0 : i32
      %dma_start3A_31 = tpu.memref_slice %arg23[%dma_start3A_29, %dma_start3A_30] : memref<2x8xf32, #tpu.memory_space<vmem>> -> memref<1x8xf32, #tpu.memory_space<vmem>>
      tpu.enqueue_dma source(%arg11 : memref<1x8xf32, #tpu.memory_space<hbm>>) target(%dma_start3A_31 : memref<1x8xf32, #tpu.memory_space<vmem>>) target_semaphore(%arg26 : memref<!tpu.dma_semaphore, #tpu.memory_space<semaphore_mem>>)
      %dma_start3A_32 = arith.constant 8 : i32
      %dma_start3A_33 = tpu.memref_slice %arg24[%dma_start3A_32] : memref<16xf32, #tpu.memory_space<vmem>> -> memref<8xf32, #tpu.memory_space<vmem>>
      %dma_start3A_34 = arith.constant 8 : i32
      %dma_start3A_35 = tpu.memref_slice %arg24[%dma_start3A_34] : memref<16xf32, #tpu.memory_space<vmem>> -> memref<8xf32, #tpu.memory_space<vmem>>
      tpu.enqueue_dma source(%arg12 : memref<8xf32, #tpu.memory_space<hbm>>) target(%dma_start3A_35 : memref<8xf32, #tpu.memory_space<vmem>>) target_semaphore(%arg26 : memref<!tpu.dma_semaphore, #tpu.memory_space<semaphore_mem>>)
      %dma_start3A_36 = arith.constant 0 : i32
      %dma_start3A_37 = tpu.memref_slice %arg14[%dma_start3A_36] : memref<16xf32, #tpu.memory_space<vmem>> -> memref<16xf32, #tpu.memory_space<vmem>>
      %dma_start3A_38 = tpu.memref_slice %arg2[%multiple_of3A] : memref<97xf32, #tpu.memory_space<hbm>> -> memref<16xf32, #tpu.memory_space<hbm>>
      %dma_start3A_39 = arith.constant 0 : i32
      %dma_start3A_40 = tpu.memref_slice %arg14[%dma_start3A_39] : memref<16xf32, #tpu.memory_space<vmem>> -> memref<16xf32, #tpu.memory_space<vmem>>
      %dma_start3A_41 = tpu.memref_slice %arg2[%multiple_of3A] : memref<97xf32, #tpu.memory_space<hbm>> -> memref<16xf32, #tpu.memory_space<hbm>>
      tpu.enqueue_dma source(%dma_start3A_41 : memref<16xf32, #tpu.memory_space<hbm>>) target(%dma_start3A_40 : memref<16xf32, #tpu.memory_space<vmem>>) target_semaphore(%arg26 : memref<!tpu.dma_semaphore, #tpu.memory_space<semaphore_mem>>)
      %dma_start3A_42 = arith.constant 0 : i32
      %dma_start3A_43 = tpu.memref_slice %arg15[%dma_start3A_42] : memref<16xi32, #tpu.memory_space<vmem>> -> memref<16xi32, #tpu.memory_space<vmem>>
      %dma_start3A_44 = tpu.memref_slice %arg3[%multiple_of3A] : memref<97xi32, #tpu.memory_space<hbm>> -> memref<16xi32, #tpu.memory_space<hbm>>
      %dma_start3A_45 = arith.constant 0 : i32
      %dma_start3A_46 = tpu.memref_slice %arg15[%dma_start3A_45] : memref<16xi32, #tpu.memory_space<vmem>> -> memref<16xi32, #tpu.memory_space<vmem>>
      %dma_start3A_47 = tpu.memref_slice %arg3[%multiple_of3A] : memref<97xi32, #tpu.memory_space<hbm>> -> memref<16xi32, #tpu.memory_space<hbm>>
      tpu.enqueue_dma source(%dma_start3A_47 : memref<16xi32, #tpu.memory_space<hbm>>) target(%dma_start3A_46 : memref<16xi32, #tpu.memory_space<vmem>>) target_semaphore(%arg26 : memref<!tpu.dma_semaphore, #tpu.memory_space<semaphore_mem>>)
      %dma_start3A_48 = arith.constant 0 : i32
      %dma_start3A_49 = tpu.memref_slice %arg16[%dma_start3A_48] : memref<16xi32, #tpu.memory_space<vmem>> -> memref<16xi32, #tpu.memory_space<vmem>>
      %dma_start3A_50 = tpu.memref_slice %arg4[%multiple_of3A] : memref<97xi32, #tpu.memory_space<hbm>> -> memref<16xi32, #tpu.memory_space<hbm>>
      %dma_start3A_51 = arith.constant 0 : i32
      %dma_start3A_52 = tpu.memref_slice %arg16[%dma_start3A_51] : memref<16xi32, #tpu.memory_space<vmem>> -> memref<16xi32, #tpu.memory_space<vmem>>
      %dma_start3A_53 = tpu.memref_slice %arg4[%multiple_of3A] : memref<97xi32, #tpu.memory_space<hbm>> -> memref<16xi32, #tpu.memory_space<hbm>>
      tpu.enqueue_dma source(%dma_start3A_53 : memref<16xi32, #tpu.memory_space<hbm>>) target(%dma_start3A_52 : memref<16xi32, #tpu.memory_space<vmem>>) target_semaphore(%arg26 : memref<!tpu.dma_semaphore, #tpu.memory_space<semaphore_mem>>)
      tpu.wait_dma2 semaphore(%arg26 : memref<!tpu.dma_semaphore, #tpu.memory_space<semaphore_mem>>) src(%arg5 : memref<8x3xf32, #tpu.memory_space<hbm>>) dst(%arg17 : memref<8x3xf32, #tpu.memory_space<vmem>>)
      tpu.wait_dma2 semaphore(%arg26 : memref<!tpu.dma_semaphore, #tpu.memory_space<semaphore_mem>>) src(%arg6 : memref<5x3xf32, #tpu.memory_space<hbm>>) dst(%arg18 : memref<5x3xf32, #tpu.memory_space<vmem>>)
      %dma_wait3A = arith.constant 2 : i32
      %dma_wait3A_54 = arith.constant 0 : i32
      %dma_wait3A_55 = tpu.memref_slice %arg19[%dma_wait3A, %dma_wait3A_54] : memref<8x4xf32, #tpu.memory_space<vmem>> -> memref<3x4xf32, #tpu.memory_space<vmem>>
      %dma_wait3A_56 = arith.constant 2 : i32
      %dma_wait3A_57 = arith.constant 0 : i32
      %dma_wait3A_58 = tpu.memref_slice %arg19[%dma_wait3A_56, %dma_wait3A_57] : memref<8x4xf32, #tpu.memory_space<vmem>> -> memref<3x4xf32, #tpu.memory_space<vmem>>
      tpu.wait_dma2 semaphore(%arg26 : memref<!tpu.dma_semaphore, #tpu.memory_space<semaphore_mem>>) src(%arg7 : memref<3x4xf32, #tpu.memory_space<hbm>>) dst(%dma_wait3A_58 : memref<3x4xf32, #tpu.memory_space<vmem>>)
      %dma_wait3A_59 = arith.constant 8 : i32
      %dma_wait3A_60 = tpu.memref_slice %arg20[%dma_wait3A_59] : memref<12xf32, #tpu.memory_space<vmem>> -> memref<4xf32, #tpu.memory_space<vmem>>
      %dma_wait3A_61 = arith.constant 8 : i32
      %dma_wait3A_62 = tpu.memref_slice %arg20[%dma_wait3A_61] : memref<12xf32, #tpu.memory_space<vmem>> -> memref<4xf32, #tpu.memory_space<vmem>>
      tpu.wait_dma2 semaphore(%arg26 : memref<!tpu.dma_semaphore, #tpu.memory_space<semaphore_mem>>) src(%arg8 : memref<4xf32, #tpu.memory_space<hbm>>) dst(%dma_wait3A_62 : memref<4xf32, #tpu.memory_space<vmem>>)
      %dma_wait3A_63 = arith.constant 2 : i32
      %dma_wait3A_64 = arith.constant 0 : i32
      %dma_wait3A_65 = tpu.memref_slice %arg21[%dma_wait3A_63, %dma_wait3A_64] : memref<8x4xf32, #tpu.memory_space<vmem>> -> memref<3x4xf32, #tpu.memory_space<vmem>>
      %dma_wait3A_66 = arith.constant 2 : i32
      %dma_wait3A_67 = arith.constant 0 : i32
      %dma_wait3A_68 = tpu.memref_slice %arg21[%dma_wait3A_66, %dma_wait3A_67] : memref<8x4xf32, #tpu.memory_space<vmem>> -> memref<3x4xf32, #tpu.memory_space<vmem>>
      tpu.wait_dma2 semaphore(%arg26 : memref<!tpu.dma_semaphore, #tpu.memory_space<semaphore_mem>>) src(%arg9 : memref<3x4xf32, #tpu.memory_space<hbm>>) dst(%dma_wait3A_68 : memref<3x4xf32, #tpu.memory_space<vmem>>)
      %dma_wait3A_69 = arith.constant 8 : i32
      %dma_wait3A_70 = tpu.memref_slice %arg22[%dma_wait3A_69] : memref<12xf32, #tpu.memory_space<vmem>> -> memref<4xf32, #tpu.memory_space<vmem>>
      %dma_wait3A_71 = arith.constant 8 : i32
      %dma_wait3A_72 = tpu.memref_slice %arg22[%dma_wait3A_71] : memref<12xf32, #tpu.memory_space<vmem>> -> memref<4xf32, #tpu.memory_space<vmem>>
      tpu.wait_dma2 semaphore(%arg26 : memref<!tpu.dma_semaphore, #tpu.memory_space<semaphore_mem>>) src(%arg10 : memref<4xf32, #tpu.memory_space<hbm>>) dst(%dma_wait3A_72 : memref<4xf32, #tpu.memory_space<vmem>>)
      %dma_wait3A_73 = arith.constant 1 : i32
      %dma_wait3A_74 = arith.constant 0 : i32
      %dma_wait3A_75 = tpu.memref_slice %arg23[%dma_wait3A_73, %dma_wait3A_74] : memref<2x8xf32, #tpu.memory_space<vmem>> -> memref<1x8xf32, #tpu.memory_space<vmem>>
      %dma_wait3A_76 = arith.constant 1 : i32
      %dma_wait3A_77 = arith.constant 0 : i32
      %dma_wait3A_78 = tpu.memref_slice %arg23[%dma_wait3A_76, %dma_wait3A_77] : memref<2x8xf32, #tpu.memory_space<vmem>> -> memref<1x8xf32, #tpu.memory_space<vmem>>
      tpu.wait_dma2 semaphore(%arg26 : memref<!tpu.dma_semaphore, #tpu.memory_space<semaphore_mem>>) src(%arg11 : memref<1x8xf32, #tpu.memory_space<hbm>>) dst(%dma_wait3A_78 : memref<1x8xf32, #tpu.memory_space<vmem>>)
      %dma_wait3A_79 = arith.constant 8 : i32
      %dma_wait3A_80 = tpu.memref_slice %arg24[%dma_wait3A_79] : memref<16xf32, #tpu.memory_space<vmem>> -> memref<8xf32, #tpu.memory_space<vmem>>
      %dma_wait3A_81 = arith.constant 8 : i32
      %dma_wait3A_82 = tpu.memref_slice %arg24[%dma_wait3A_81] : memref<16xf32, #tpu.memory_space<vmem>> -> memref<8xf32, #tpu.memory_space<vmem>>
      tpu.wait_dma2 semaphore(%arg26 : memref<!tpu.dma_semaphore, #tpu.memory_space<semaphore_mem>>) src(%arg12 : memref<8xf32, #tpu.memory_space<hbm>>) dst(%dma_wait3A_82 : memref<8xf32, #tpu.memory_space<vmem>>)
      %dma_wait3A_83 = arith.constant 0 : i32
      %dma_wait3A_84 = tpu.memref_slice %arg14[%dma_wait3A_83] : memref<16xf32, #tpu.memory_space<vmem>> -> memref<16xf32, #tpu.memory_space<vmem>>
      %dma_wait3A_85 = tpu.memref_slice %arg2[%multiple_of3A] : memref<97xf32, #tpu.memory_space<hbm>> -> memref<16xf32, #tpu.memory_space<hbm>>
      %dma_wait3A_86 = arith.constant 0 : i32
      %dma_wait3A_87 = tpu.memref_slice %arg14[%dma_wait3A_86] : memref<16xf32, #tpu.memory_space<vmem>> -> memref<16xf32, #tpu.memory_space<vmem>>
      %dma_wait3A_88 = tpu.memref_slice %arg2[%multiple_of3A] : memref<97xf32, #tpu.memory_space<hbm>> -> memref<16xf32, #tpu.memory_space<hbm>>
      tpu.wait_dma2 semaphore(%arg26 : memref<!tpu.dma_semaphore, #tpu.memory_space<semaphore_mem>>) src(%dma_wait3A_88 : memref<16xf32, #tpu.memory_space<hbm>>) dst(%dma_wait3A_87 : memref<16xf32, #tpu.memory_space<vmem>>)
      %dma_wait3A_89 = arith.constant 0 : i32
      %dma_wait3A_90 = tpu.memref_slice %arg15[%dma_wait3A_89] : memref<16xi32, #tpu.memory_space<vmem>> -> memref<16xi32, #tpu.memory_space<vmem>>
      %dma_wait3A_91 = tpu.memref_slice %arg3[%multiple_of3A] : memref<97xi32, #tpu.memory_space<hbm>> -> memref<16xi32, #tpu.memory_space<hbm>>
      %dma_wait3A_92 = arith.constant 0 : i32
      %dma_wait3A_93 = tpu.memref_slice %arg15[%dma_wait3A_92] : memref<16xi32, #tpu.memory_space<vmem>> -> memref<16xi32, #tpu.memory_space<vmem>>
      %dma_wait3A_94 = tpu.memref_slice %arg3[%multiple_of3A] : memref<97xi32, #tpu.memory_space<hbm>> -> memref<16xi32, #tpu.memory_space<hbm>>
      tpu.wait_dma2 semaphore(%arg26 : memref<!tpu.dma_semaphore, #tpu.memory_space<semaphore_mem>>) src(%dma_wait3A_94 : memref<16xi32, #tpu.memory_space<hbm>>) dst(%dma_wait3A_93 : memref<16xi32, #tpu.memory_space<vmem>>)
      %dma_wait3A_95 = arith.constant 0 : i32
      %dma_wait3A_96 = tpu.memref_slice %arg16[%dma_wait3A_95] : memref<16xi32, #tpu.memory_space<vmem>> -> memref<16xi32, #tpu.memory_space<vmem>>
      %dma_wait3A_97 = tpu.memref_slice %arg4[%multiple_of3A] : memref<97xi32, #tpu.memory_space<hbm>> -> memref<16xi32, #tpu.memory_space<hbm>>
      %dma_wait3A_98 = arith.constant 0 : i32
      %dma_wait3A_99 = tpu.memref_slice %arg16[%dma_wait3A_98] : memref<16xi32, #tpu.memory_space<vmem>> -> memref<16xi32, #tpu.memory_space<vmem>>
      %dma_wait3A_100 = tpu.memref_slice %arg4[%multiple_of3A] : memref<97xi32, #tpu.memory_space<hbm>> -> memref<16xi32, #tpu.memory_space<hbm>>
      tpu.wait_dma2 semaphore(%arg26 : memref<!tpu.dma_semaphore, #tpu.memory_space<semaphore_mem>>) src(%dma_wait3A_100 : memref<16xi32, #tpu.memory_space<hbm>>) dst(%dma_wait3A_99 : memref<16xi32, #tpu.memory_space<vmem>>)
      %iota3A = tpu.iota {dimensions = array<i32: 0>} : vector<16xi32>
      %get3A = arith.constant 0 : index
      %get3A_101 = tpu.vector_load %arg14[%get3A] {strides = array<i32>} : memref<16xf32, #tpu.memory_space<vmem>>, vector<16xf32>,
      %get3A_102 = arith.constant 0 : index
      %get3A_103 = tpu.vector_load %arg15[%get3A_102] {strides = array<i32>} : memref<16xi32, #tpu.memory_space<vmem>>, vector<16xi32>,
      %get3A_104 = arith.constant 0 : index
      %get3A_105 = tpu.vector_load %arg16[%get3A_104] {strides = array<i32>} : memref<16xi32, #tpu.memory_space<vmem>>, vector<16xi32>,
      %broadcast_in_dim3A = arith.constant 0 : i32
      %broadcast_in_dim3A_106 = vector.broadcast %broadcast_in_dim3A : i32 to vector<16xi32>
      %gather3A = tpu.vector_load_idx %arg17[%get3A_103, %broadcast_in_dim3A_106] : memref<8x3xf32, #tpu.memory_space<vmem>>[vector<16xi32>, vector<16xi32>], vector<16xf32>,
      %broadcast_in_dim3A_107 = arith.constant 1 : i32
      %broadcast_in_dim3A_108 = vector.broadcast %broadcast_in_dim3A_107 : i32 to vector<16xi32>
      %gather3A_109 = tpu.vector_load_idx %arg17[%get3A_103, %broadcast_in_dim3A_108] : memref<8x3xf32, #tpu.memory_space<vmem>>[vector<16xi32>, vector<16xi32>], vector<16xf32>,
      %broadcast_in_dim3A_110 = arith.constant 2 : i32
      %broadcast_in_dim3A_111 = vector.broadcast %broadcast_in_dim3A_110 : i32 to vector<16xi32>
      %gather3A_112 = tpu.vector_load_idx %arg17[%get3A_103, %broadcast_in_dim3A_111] : memref<8x3xf32, #tpu.memory_space<vmem>>[vector<16xi32>, vector<16xi32>], vector<16xf32>,
      %broadcast_in_dim3A_113 = arith.constant 0 : i32
      %broadcast_in_dim3A_114 = vector.broadcast %broadcast_in_dim3A_113 : i32 to vector<16xi32>
      %gather3A_115 = tpu.vector_load_idx %arg18[%get3A_105, %broadcast_in_dim3A_114] : memref<5x3xf32, #tpu.memory_space<vmem>>[vector<16xi32>, vector<16xi32>], vector<16xf32>,
      %broadcast_in_dim3A_116 = arith.constant 1 : i32
      %broadcast_in_dim3A_117 = vector.broadcast %broadcast_in_dim3A_116 : i32 to vector<16xi32>
      %gather3A_118 = tpu.vector_load_idx %arg18[%get3A_105, %broadcast_in_dim3A_117] : memref<5x3xf32, #tpu.memory_space<vmem>>[vector<16xi32>, vector<16xi32>], vector<16xf32>,
      %broadcast_in_dim3A_119 = arith.constant 2 : i32
      %broadcast_in_dim3A_120 = vector.broadcast %broadcast_in_dim3A_119 : i32 to vector<16xi32>
      %gather3A_121 = tpu.vector_load_idx %arg18[%get3A_105, %broadcast_in_dim3A_120] : memref<5x3xf32, #tpu.memory_space<vmem>>[vector<16xi32>, vector<16xi32>], vector<16xf32>,
      %broadcast_in_dim3A_122 = arith.constant 1 : i32
      %broadcast_in_dim3A_123 = vector.broadcast %broadcast_in_dim3A_122 : i32 to vector<16xi32>
      %broadcast_in_dim3A_124 = arith.constant 0 : i32
      %broadcast_in_dim3A_125 = vector.broadcast %broadcast_in_dim3A_124 : i32 to vector<16xi32>
      %gather3A_126 = tpu.vector_load_idx %arg23[%broadcast_in_dim3A_123, %broadcast_in_dim3A_125] : memref<2x8xf32, #tpu.memory_space<vmem>>[vector<16xi32>, vector<16xi32>], vector<16xf32>,
      %mul3A_127 = arith.mulf %get3A_101, %gather3A_126 : vector<16xf32>
      %broadcast_in_dim3A_128 = arith.constant 8 : i32
      %broadcast_in_dim3A_129 = vector.broadcast %broadcast_in_dim3A_128 : i32 to vector<16xi32>
      %gather3A_130 = tpu.vector_load_idx %arg24[%broadcast_in_dim3A_129] : memref<16xf32, #tpu.memory_space<vmem>>[vector<16xi32>], vector<16xf32>,
      %add3A = arith.addf %mul3A_127, %gather3A_130 : vector<16xf32>
      %broadcast_in_dim3A_131 = arith.constant 0 : i32
      %broadcast_in_dim3A_132 = vector.broadcast %broadcast_in_dim3A_131 : i32 to vector<16xi32>
      tpu.vector_store_idx %arg25[%iota3A, %broadcast_in_dim3A_132], %add3A : memref<16x16xf32, #tpu.memory_space<vmem>>[vector<16xi32>, vector<16xi32>], vector<16xf32>,
      %broadcast_in_dim3A_133 = arith.constant 1 : i32
      %broadcast_in_dim3A_134 = vector.broadcast %broadcast_in_dim3A_133 : i32 to vector<16xi32>
      %broadcast_in_dim3A_135 = arith.constant 1 : i32
      %broadcast_in_dim3A_136 = vector.broadcast %broadcast_in_dim3A_135 : i32 to vector<16xi32>
      %gather3A_137 = tpu.vector_load_idx %arg23[%broadcast_in_dim3A_134, %broadcast_in_dim3A_136] : memref<2x8xf32, #tpu.memory_space<vmem>>[vector<16xi32>, vector<16xi32>], vector<16xf32>,
      %mul3A_138 = arith.mulf %get3A_101, %gather3A_137 : vector<16xf32>
      %broadcast_in_dim3A_139 = arith.constant 9 : i32
      %broadcast_in_dim3A_140 = vector.broadcast %broadcast_in_dim3A_139 : i32 to vector<16xi32>
      %gather3A_141 = tpu.vector_load_idx %arg24[%broadcast_in_dim3A_140] : memref<16xf32, #tpu.memory_space<vmem>>[vector<16xi32>], vector<16xf32>,
      %add3A_142 = arith.addf %mul3A_138, %gather3A_141 : vector<16xf32>
      %broadcast_in_dim3A_143 = arith.constant 1 : i32
      %broadcast_in_dim3A_144 = vector.broadcast %broadcast_in_dim3A_143 : i32 to vector<16xi32>
      tpu.vector_store_idx %arg25[%iota3A, %broadcast_in_dim3A_144], %add3A_142 : memref<16x16xf32, #tpu.memory_space<vmem>>[vector<16xi32>, vector<16xi32>], vector<16xf32>,
      %broadcast_in_dim3A_145 = arith.constant 1 : i32
      %broadcast_in_dim3A_146 = vector.broadcast %broadcast_in_dim3A_145 : i32 to vector<16xi32>
      %broadcast_in_dim3A_147 = arith.constant 2 : i32
      %broadcast_in_dim3A_148 = vector.broadcast %broadcast_in_dim3A_147 : i32 to vector<16xi32>
      %gather3A_149 = tpu.vector_load_idx %arg23[%broadcast_in_dim3A_146, %broadcast_in_dim3A_148] : memref<2x8xf32, #tpu.memory_space<vmem>>[vector<16xi32>, vector<16xi32>], vector<16xf32>,
      %mul3A_150 = arith.mulf %get3A_101, %gather3A_149 : vector<16xf32>
      %broadcast_in_dim3A_151 = arith.constant 10 : i32
      %broadcast_in_dim3A_152 = vector.broadcast %broadcast_in_dim3A_151 : i32 to vector<16xi32>
      %gather3A_153 = tpu.vector_load_idx %arg24[%broadcast_in_dim3A_152] : memref<16xf32, #tpu.memory_space<vmem>>[vector<16xi32>], vector<16xf32>,
      %add3A_154 = arith.addf %mul3A_150, %gather3A_153 : vector<16xf32>
      %broadcast_in_dim3A_155 = arith.constant 2 : i32
      %broadcast_in_dim3A_156 = vector.broadcast %broadcast_in_dim3A_155 : i32 to vector<16xi32>
      tpu.vector_store_idx %arg25[%iota3A, %broadcast_in_dim3A_156], %add3A_154 : memref<16x16xf32, #tpu.memory_space<vmem>>[vector<16xi32>, vector<16xi32>], vector<16xf32>,
      %broadcast_in_dim3A_157 = arith.constant 1 : i32
      %broadcast_in_dim3A_158 = vector.broadcast %broadcast_in_dim3A_157 : i32 to vector<16xi32>
      %broadcast_in_dim3A_159 = arith.constant 3 : i32
      %broadcast_in_dim3A_160 = vector.broadcast %broadcast_in_dim3A_159 : i32 to vector<16xi32>
      %gather3A_161 = tpu.vector_load_idx %arg23[%broadcast_in_dim3A_158, %broadcast_in_dim3A_160] : memref<2x8xf32, #tpu.memory_space<vmem>>[vector<16xi32>, vector<16xi32>], vector<16xf32>,
      %mul3A_162 = arith.mulf %get3A_101, %gather3A_161 : vector<16xf32>
      %broadcast_in_dim3A_163 = arith.constant 11 : i32
      %broadcast_in_dim3A_164 = vector.broadcast %broadcast_in_dim3A_163 : i32 to vector<16xi32>
      %gather3A_165 = tpu.vector_load_idx %arg24[%broadcast_in_dim3A_164] : memref<16xf32, #tpu.memory_space<vmem>>[vector<16xi32>], vector<16xf32>,
      %add3A_166 = arith.addf %mul3A_162, %gather3A_165 : vector<16xf32>
      %broadcast_in_dim3A_167 = arith.constant 3 : i32
      %broadcast_in_dim3A_168 = vector.broadcast %broadcast_in_dim3A_167 : i32 to vector<16xi32>
      tpu.vector_store_idx %arg25[%iota3A, %broadcast_in_dim3A_168], %add3A_166 : memref<16x16xf32, #tpu.memory_space<vmem>>[vector<16xi32>, vector<16xi32>], vector<16xf32>,
      %broadcast_in_dim3A_169 = arith.constant 1 : i32
      %broadcast_in_dim3A_170 = vector.broadcast %broadcast_in_dim3A_169 : i32 to vector<16xi32>
      %broadcast_in_dim3A_171 = arith.constant 4 : i32
      %broadcast_in_dim3A_172 = vector.broadcast %broadcast_in_dim3A_171 : i32 to vector<16xi32>
      %gather3A_173 = tpu.vector_load_idx %arg23[%broadcast_in_dim3A_170, %broadcast_in_dim3A_172] : memref<2x8xf32, #tpu.memory_space<vmem>>[vector<16xi32>, vector<16xi32>], vector<16xf32>,
      %mul3A_174 = arith.mulf %get3A_101, %gather3A_173 : vector<16xf32>
      %broadcast_in_dim3A_175 = arith.constant 12 : i32
      %broadcast_in_dim3A_176 = vector.broadcast %broadcast_in_dim3A_175 : i32 to vector<16xi32>
      %gather3A_177 = tpu.vector_load_idx %arg24[%broadcast_in_dim3A_176] : memref<16xf32, #tpu.memory_space<vmem>>[vector<16xi32>], vector<16xf32>,
      %add3A_178 = arith.addf %mul3A_174, %gather3A_177 : vector<16xf32>
      %broadcast_in_dim3A_179 = arith.constant 4 : i32
      %broadcast_in_dim3A_180 = vector.broadcast %broadcast_in_dim3A_179 : i32 to vector<16xi32>
      tpu.vector_store_idx %arg25[%iota3A, %broadcast_in_dim3A_180], %add3A_178 : memref<16x16xf32, #tpu.memory_space<vmem>>[vector<16xi32>, vector<16xi32>], vector<16xf32>,
      %broadcast_in_dim3A_181 = arith.constant 1 : i32
      %broadcast_in_dim3A_182 = vector.broadcast %broadcast_in_dim3A_181 : i32 to vector<16xi32>
      %broadcast_in_dim3A_183 = arith.constant 5 : i32
      %broadcast_in_dim3A_184 = vector.broadcast %broadcast_in_dim3A_183 : i32 to vector<16xi32>
      %gather3A_185 = tpu.vector_load_idx %arg23[%broadcast_in_dim3A_182, %broadcast_in_dim3A_184] : memref<2x8xf32, #tpu.memory_space<vmem>>[vector<16xi32>, vector<16xi32>], vector<16xf32>,
      %mul3A_186 = arith.mulf %get3A_101, %gather3A_185 : vector<16xf32>
      %broadcast_in_dim3A_187 = arith.constant 13 : i32
      %broadcast_in_dim3A_188 = vector.broadcast %broadcast_in_dim3A_187 : i32 to vector<16xi32>
      %gather3A_189 = tpu.vector_load_idx %arg24[%broadcast_in_dim3A_188] : memref<16xf32, #tpu.memory_space<vmem>>[vector<16xi32>], vector<16xf32>,
      %add3A_190 = arith.addf %mul3A_186, %gather3A_189 : vector<16xf32>
      %broadcast_in_dim3A_191 = arith.constant 5 : i32
      %broadcast_in_dim3A_192 = vector.broadcast %broadcast_in_dim3A_191 : i32 to vector<16xi32>
      tpu.vector_store_idx %arg25[%iota3A, %broadcast_in_dim3A_192], %add3A_190 : memref<16x16xf32, #tpu.memory_space<vmem>>[vector<16xi32>, vector<16xi32>], vector<16xf32>,
      %broadcast_in_dim3A_193 = arith.constant 1 : i32
      %broadcast_in_dim3A_194 = vector.broadcast %broadcast_in_dim3A_193 : i32 to vector<16xi32>
      %broadcast_in_dim3A_195 = arith.constant 6 : i32
      %broadcast_in_dim3A_196 = vector.broadcast %broadcast_in_dim3A_195 : i32 to vector<16xi32>
      %gather3A_197 = tpu.vector_load_idx %arg23[%broadcast_in_dim3A_194, %broadcast_in_dim3A_196] : memref<2x8xf32, #tpu.memory_space<vmem>>[vector<16xi32>, vector<16xi32>], vector<16xf32>,
      %mul3A_198 = arith.mulf %get3A_101, %gather3A_197 : vector<16xf32>
      %broadcast_in_dim3A_199 = arith.constant 14 : i32
      %broadcast_in_dim3A_200 = vector.broadcast %broadcast_in_dim3A_199 : i32 to vector<16xi32>
      %gather3A_201 = tpu.vector_load_idx %arg24[%broadcast_in_dim3A_200] : memref<16xf32, #tpu.memory_space<vmem>>[vector<16xi32>], vector<16xf32>,
      %add3A_202 = arith.addf %mul3A_198, %gather3A_201 : vector<16xf32>
      %broadcast_in_dim3A_203 = arith.constant 6 : i32
      %broadcast_in_dim3A_204 = vector.broadcast %broadcast_in_dim3A_203 : i32 to vector<16xi32>
      tpu.vector_store_idx %arg25[%iota3A, %broadcast_in_dim3A_204], %add3A_202 : memref<16x16xf32, #tpu.memory_space<vmem>>[vector<16xi32>, vector<16xi32>], vector<16xf32>,
      %broadcast_in_dim3A_205 = arith.constant 1 : i32
      %broadcast_in_dim3A_206 = vector.broadcast %broadcast_in_dim3A_205 : i32 to vector<16xi32>
      %broadcast_in_dim3A_207 = arith.constant 7 : i32
      %broadcast_in_dim3A_208 = vector.broadcast %broadcast_in_dim3A_207 : i32 to vector<16xi32>
      %gather3A_209 = tpu.vector_load_idx %arg23[%broadcast_in_dim3A_206, %broadcast_in_dim3A_208] : memref<2x8xf32, #tpu.memory_space<vmem>>[vector<16xi32>, vector<16xi32>], vector<16xf32>,
      %mul3A_210 = arith.mulf %get3A_101, %gather3A_209 : vector<16xf32>
      %broadcast_in_dim3A_211 = arith.constant 15 : i32
      %broadcast_in_dim3A_212 = vector.broadcast %broadcast_in_dim3A_211 : i32 to vector<16xi32>
      %gather3A_213 = tpu.vector_load_idx %arg24[%broadcast_in_dim3A_212] : memref<16xf32, #tpu.memory_space<vmem>>[vector<16xi32>], vector<16xf32>,
      %add3A_214 = arith.addf %mul3A_210, %gather3A_213 : vector<16xf32>
      %broadcast_in_dim3A_215 = arith.constant 7 : i32
      %broadcast_in_dim3A_216 = vector.broadcast %broadcast_in_dim3A_215 : i32 to vector<16xi32>
      tpu.vector_store_idx %arg25[%iota3A, %broadcast_in_dim3A_216], %add3A_214 : memref<16x16xf32, #tpu.memory_space<vmem>>[vector<16xi32>, vector<16xi32>], vector<16xf32>,
      %broadcast_in_dim3A_217 = arith.constant 2 : i32
      %broadcast_in_dim3A_218 = vector.broadcast %broadcast_in_dim3A_217 : i32 to vector<16xi32>
      %broadcast_in_dim3A_219 = arith.constant 0 : i32
      %broadcast_in_dim3A_220 = vector.broadcast %broadcast_in_dim3A_219 : i32 to vector<16xi32>
      %gather3A_221 = tpu.vector_load_idx %arg21[%broadcast_in_dim3A_218, %broadcast_in_dim3A_220] : memref<8x4xf32, #tpu.memory_space<vmem>>[vector<16xi32>, vector<16xi32>], vector<16xf32>,
      %mul3A_222 = arith.mulf %gather3A_115, %gather3A_221 : vector<16xf32>
      %broadcast_in_dim3A_223 = arith.constant 3 : i32
      %broadcast_in_dim3A_224 = vector.broadcast %broadcast_in_dim3A_223 : i32 to vector<16xi32>
      %broadcast_in_dim3A_225 = arith.constant 0 : i32
      %broadcast_in_dim3A_226 = vector.broadcast %broadcast_in_dim3A_225 : i32 to vector<16xi32>
      %gather3A_227 = tpu.vector_load_idx %arg21[%broadcast_in_dim3A_224, %broadcast_in_dim3A_226] : memref<8x4xf32, #tpu.memory_space<vmem>>[vector<16xi32>, vector<16xi32>], vector<16xf32>,
      %mul3A_228 = arith.mulf %gather3A_118, %gather3A_227 : vector<16xf32>
      %add3A_229 = arith.addf %mul3A_222, %mul3A_228 : vector<16xf32>
      %broadcast_in_dim3A_230 = arith.constant 4 : i32
      %broadcast_in_dim3A_231 = vector.broadcast %broadcast_in_dim3A_230 : i32 to vector<16xi32>
      %broadcast_in_dim3A_232 = arith.constant 0 : i32
      %broadcast_in_dim3A_233 = vector.broadcast %broadcast_in_dim3A_232 : i32 to vector<16xi32>
      %gather3A_234 = tpu.vector_load_idx %arg21[%broadcast_in_dim3A_231, %broadcast_in_dim3A_233] : memref<8x4xf32, #tpu.memory_space<vmem>>[vector<16xi32>, vector<16xi32>], vector<16xf32>,
      %mul3A_235 = arith.mulf %gather3A_121, %gather3A_234 : vector<16xf32>
      %add3A_236 = arith.addf %add3A_229, %mul3A_235 : vector<16xf32>
      %broadcast_in_dim3A_237 = arith.constant 8 : i32
      %broadcast_in_dim3A_238 = vector.broadcast %broadcast_in_dim3A_237 : i32 to vector<16xi32>
      %gather3A_239 = tpu.vector_load_idx %arg22[%broadcast_in_dim3A_238] : memref<12xf32, #tpu.memory_space<vmem>>[vector<16xi32>], vector<16xf32>,
      %add3A_240 = arith.addf %add3A_236, %gather3A_239 : vector<16xf32>
      %broadcast_in_dim3A_241 = arith.constant 8 : i32
      %broadcast_in_dim3A_242 = vector.broadcast %broadcast_in_dim3A_241 : i32 to vector<16xi32>
      tpu.vector_store_idx %arg25[%iota3A, %broadcast_in_dim3A_242], %add3A_240 : memref<16x16xf32, #tpu.memory_space<vmem>>[vector<16xi32>, vector<16xi32>], vector<16xf32>,
      %broadcast_in_dim3A_243 = arith.constant 2 : i32
      %broadcast_in_dim3A_244 = vector.broadcast %broadcast_in_dim3A_243 : i32 to vector<16xi32>
      %broadcast_in_dim3A_245 = arith.constant 1 : i32
      %broadcast_in_dim3A_246 = vector.broadcast %broadcast_in_dim3A_245 : i32 to vector<16xi32>
      %gather3A_247 = tpu.vector_load_idx %arg21[%broadcast_in_dim3A_244, %broadcast_in_dim3A_246] : memref<8x4xf32, #tpu.memory_space<vmem>>[vector<16xi32>, vector<16xi32>], vector<16xf32>,
      %mul3A_248 = arith.mulf %gather3A_115, %gather3A_247 : vector<16xf32>
      %broadcast_in_dim3A_249 = arith.constant 3 : i32
      %broadcast_in_dim3A_250 = vector.broadcast %broadcast_in_dim3A_249 : i32 to vector<16xi32>
      %broadcast_in_dim3A_251 = arith.constant 1 : i32
      %broadcast_in_dim3A_252 = vector.broadcast %broadcast_in_dim3A_251 : i32 to vector<16xi32>
      %gather3A_253 = tpu.vector_load_idx %arg21[%broadcast_in_dim3A_250, %broadcast_in_dim3A_252] : memref<8x4xf32, #tpu.memory_space<vmem>>[vector<16xi32>, vector<16xi32>], vector<16xf32>,
      %mul3A_254 = arith.mulf %gather3A_118, %gather3A_253 : vector<16xf32>
      %add3A_255 = arith.addf %mul3A_248, %mul3A_254 : vector<16xf32>
      %broadcast_in_dim3A_256 = arith.constant 4 : i32
      %broadcast_in_dim3A_257 = vector.broadcast %broadcast_in_dim3A_256 : i32 to vector<16xi32>
      %broadcast_in_dim3A_258 = arith.constant 1 : i32
      %broadcast_in_dim3A_259 = vector.broadcast %broadcast_in_dim3A_258 : i32 to vector<16xi32>
      %gather3A_260 = tpu.vector_load_idx %arg21[%broadcast_in_dim3A_257, %broadcast_in_dim3A_259] : memref<8x4xf32, #tpu.memory_space<vmem>>[vector<16xi32>, vector<16xi32>], vector<16xf32>,
      %mul3A_261 = arith.mulf %gather3A_121, %gather3A_260 : vector<16xf32>
      %add3A_262 = arith.addf %add3A_255, %mul3A_261 : vector<16xf32>
      %broadcast_in_dim3A_263 = arith.constant 9 : i32
      %broadcast_in_dim3A_264 = vector.broadcast %broadcast_in_dim3A_263 : i32 to vector<16xi32>
      %gather3A_265 = tpu.vector_load_idx %arg22[%broadcast_in_dim3A_264] : memref<12xf32, #tpu.memory_space<vmem>>[vector<16xi32>], vector<16xf32>,
      %add3A_266 = arith.addf %add3A_262, %gather3A_265 : vector<16xf32>
      %broadcast_in_dim3A_267 = arith.constant 9 : i32
      %broadcast_in_dim3A_268 = vector.broadcast %broadcast_in_dim3A_267 : i32 to vector<16xi32>
      tpu.vector_store_idx %arg25[%iota3A, %broadcast_in_dim3A_268], %add3A_266 : memref<16x16xf32, #tpu.memory_space<vmem>>[vector<16xi32>, vector<16xi32>], vector<16xf32>,
      %broadcast_in_dim3A_269 = arith.constant 2 : i32
      %broadcast_in_dim3A_270 = vector.broadcast %broadcast_in_dim3A_269 : i32 to vector<16xi32>
      %broadcast_in_dim3A_271 = arith.constant 2 : i32
      %broadcast_in_dim3A_272 = vector.broadcast %broadcast_in_dim3A_271 : i32 to vector<16xi32>
      %gather3A_273 = tpu.vector_load_idx %arg21[%broadcast_in_dim3A_270, %broadcast_in_dim3A_272] : memref<8x4xf32, #tpu.memory_space<vmem>>[vector<16xi32>, vector<16xi32>], vector<16xf32>,
      %mul3A_274 = arith.mulf %gather3A_115, %gather3A_273 : vector<16xf32>
      %broadcast_in_dim3A_275 = arith.constant 3 : i32
      %broadcast_in_dim3A_276 = vector.broadcast %broadcast_in_dim3A_275 : i32 to vector<16xi32>
      %broadcast_in_dim3A_277 = arith.constant 2 : i32
      %broadcast_in_dim3A_278 = vector.broadcast %broadcast_in_dim3A_277 : i32 to vector<16xi32>
      %gather3A_279 = tpu.vector_load_idx %arg21[%broadcast_in_dim3A_276, %broadcast_in_dim3A_278] : memref<8x4xf32, #tpu.memory_space<vmem>>[vector<16xi32>, vector<16xi32>], vector<16xf32>,
      %mul3A_280 = arith.mulf %gather3A_118, %gather3A_279 : vector<16xf32>
      %add3A_281 = arith.addf %mul3A_274, %mul3A_280 : vector<16xf32>
      %broadcast_in_dim3A_282 = arith.constant 4 : i32
      %broadcast_in_dim3A_283 = vector.broadcast %broadcast_in_dim3A_282 : i32 to vector<16xi32>
      %broadcast_in_dim3A_284 = arith.constant 2 : i32
      %broadcast_in_dim3A_285 = vector.broadcast %broadcast_in_dim3A_284 : i32 to vector<16xi32>
      %gather3A_286 = tpu.vector_load_idx %arg21[%broadcast_in_dim3A_283, %broadcast_in_dim3A_285] : memref<8x4xf32, #tpu.memory_space<vmem>>[vector<16xi32>, vector<16xi32>], vector<16xf32>,
      %mul3A_287 = arith.mulf %gather3A_121, %gather3A_286 : vector<16xf32>
      %add3A_288 = arith.addf %add3A_281, %mul3A_287 : vector<16xf32>
      %broadcast_in_dim3A_289 = arith.constant 10 : i32
      %broadcast_in_dim3A_290 = vector.broadcast %broadcast_in_dim3A_289 : i32 to vector<16xi32>
      %gather3A_291 = tpu.vector_load_idx %arg22[%broadcast_in_dim3A_290] : memref<12xf32, #tpu.memory_space<vmem>>[vector<16xi32>], vector<16xf32>,
      %add3A_292 = arith.addf %add3A_288, %gather3A_291 : vector<16xf32>
      %broadcast_in_dim3A_293 = arith.constant 10 : i32
      %broadcast_in_dim3A_294 = vector.broadcast %broadcast_in_dim3A_293 : i32 to vector<16xi32>
      tpu.vector_store_idx %arg25[%iota3A, %broadcast_in_dim3A_294], %add3A_292 : memref<16x16xf32, #tpu.memory_space<vmem>>[vector<16xi32>, vector<16xi32>], vector<16xf32>,
      %broadcast_in_dim3A_295 = arith.constant 2 : i32
      %broadcast_in_dim3A_296 = vector.broadcast %broadcast_in_dim3A_295 : i32 to vector<16xi32>
      %broadcast_in_dim3A_297 = arith.constant 3 : i32
      %broadcast_in_dim3A_298 = vector.broadcast %broadcast_in_dim3A_297 : i32 to vector<16xi32>
      %gather3A_299 = tpu.vector_load_idx %arg21[%broadcast_in_dim3A_296, %broadcast_in_dim3A_298] : memref<8x4xf32, #tpu.memory_space<vmem>>[vector<16xi32>, vector<16xi32>], vector<16xf32>,
      %mul3A_300 = arith.mulf %gather3A_115, %gather3A_299 : vector<16xf32>
      %broadcast_in_dim3A_301 = arith.constant 3 : i32
      %broadcast_in_dim3A_302 = vector.broadcast %broadcast_in_dim3A_301 : i32 to vector<16xi32>
      %broadcast_in_dim3A_303 = arith.constant 3 : i32
      %broadcast_in_dim3A_304 = vector.broadcast %broadcast_in_dim3A_303 : i32 to vector<16xi32>
      %gather3A_305 = tpu.vector_load_idx %arg21[%broadcast_in_dim3A_302, %broadcast_in_dim3A_304] : memref<8x4xf32, #tpu.memory_space<vmem>>[vector<16xi32>, vector<16xi32>], vector<16xf32>,
      %mul3A_306 = arith.mulf %gather3A_118, %gather3A_305 : vector<16xf32>
      %add3A_307 = arith.addf %mul3A_300, %mul3A_306 : vector<16xf32>
      %broadcast_in_dim3A_308 = arith.constant 4 : i32
      %broadcast_in_dim3A_309 = vector.broadcast %broadcast_in_dim3A_308 : i32 to vector<16xi32>
      %broadcast_in_dim3A_310 = arith.constant 3 : i32
      %broadcast_in_dim3A_311 = vector.broadcast %broadcast_in_dim3A_310 : i32 to vector<16xi32>
      %gather3A_312 = tpu.vector_load_idx %arg21[%broadcast_in_dim3A_309, %broadcast_in_dim3A_311] : memref<8x4xf32, #tpu.memory_space<vmem>>[vector<16xi32>, vector<16xi32>], vector<16xf32>,
      %mul3A_313 = arith.mulf %gather3A_121, %gather3A_312 : vector<16xf32>
      %add3A_314 = arith.addf %add3A_307, %mul3A_313 : vector<16xf32>
      %broadcast_in_dim3A_315 = arith.constant 11 : i32
      %broadcast_in_dim3A_316 = vector.broadcast %broadcast_in_dim3A_315 : i32 to vector<16xi32>
      %gather3A_317 = tpu.vector_load_idx %arg22[%broadcast_in_dim3A_316] : memref<12xf32, #tpu.memory_space<vmem>>[vector<16xi32>], vector<16xf32>,
      %add3A_318 = arith.addf %add3A_314, %gather3A_317 : vector<16xf32>
      %broadcast_in_dim3A_319 = arith.constant 11 : i32
      %broadcast_in_dim3A_320 = vector.broadcast %broadcast_in_dim3A_319 : i32 to vector<16xi32>
      tpu.vector_store_idx %arg25[%iota3A, %broadcast_in_dim3A_320], %add3A_318 : memref<16x16xf32, #tpu.memory_space<vmem>>[vector<16xi32>, vector<16xi32>], vector<16xf32>,
      %broadcast_in_dim3A_321 = arith.constant 2 : i32
      %broadcast_in_dim3A_322 = vector.broadcast %broadcast_in_dim3A_321 : i32 to vector<16xi32>
      %broadcast_in_dim3A_323 = arith.constant 0 : i32
      %broadcast_in_dim3A_324 = vector.broadcast %broadcast_in_dim3A_323 : i32 to vector<16xi32>
      %gather3A_325 = tpu.vector_load_idx %arg19[%broadcast_in_dim3A_322, %broadcast_in_dim3A_324] : memref<8x4xf32, #tpu.memory_space<vmem>>[vector<16xi32>, vector<16xi32>], vector<16xf32>,
      %mul3A_326 = arith.mulf %gather3A, %gather3A_325 : vector<16xf32>
      %broadcast_in_dim3A_327 = arith.constant 3 : i32
      %broadcast_in_dim3A_328 = vector.broadcast %broadcast_in_dim3A_327 : i32 to vector<16xi32>
      %broadcast_in_dim3A_329 = arith.constant 0 : i32
      %broadcast_in_dim3A_330 = vector.broadcast %broadcast_in_dim3A_329 : i32 to vector<16xi32>
      %gather3A_331 = tpu.vector_load_idx %arg19[%broadcast_in_dim3A_328, %broadcast_in_dim3A_330] : memref<8x4xf32, #tpu.memory_space<vmem>>[vector<16xi32>, vector<16xi32>], vector<16xf32>,
      %mul3A_332 = arith.mulf %gather3A_109, %gather3A_331 : vector<16xf32>
      %add3A_333 = arith.addf %mul3A_326, %mul3A_332 : vector<16xf32>
      %broadcast_in_dim3A_334 = arith.constant 4 : i32
      %broadcast_in_dim3A_335 = vector.broadcast %broadcast_in_dim3A_334 : i32 to vector<16xi32>
      %broadcast_in_dim3A_336 = arith.constant 0 : i32
      %broadcast_in_dim3A_337 = vector.broadcast %broadcast_in_dim3A_336 : i32 to vector<16xi32>
      %gather3A_338 = tpu.vector_load_idx %arg19[%broadcast_in_dim3A_335, %broadcast_in_dim3A_337] : memref<8x4xf32, #tpu.memory_space<vmem>>[vector<16xi32>, vector<16xi32>], vector<16xf32>,
      %mul3A_339 = arith.mulf %gather3A_112, %gather3A_338 : vector<16xf32>
      %add3A_340 = arith.addf %add3A_333, %mul3A_339 : vector<16xf32>
      %broadcast_in_dim3A_341 = arith.constant 8 : i32
      %broadcast_in_dim3A_342 = vector.broadcast %broadcast_in_dim3A_341 : i32 to vector<16xi32>
      %gather3A_343 = tpu.vector_load_idx %arg20[%broadcast_in_dim3A_342] : memref<12xf32, #tpu.memory_space<vmem>>[vector<16xi32>], vector<16xf32>,
      %add3A_344 = arith.addf %add3A_340, %gather3A_343 : vector<16xf32>
      %broadcast_in_dim3A_345 = arith.constant 12 : i32
      %broadcast_in_dim3A_346 = vector.broadcast %broadcast_in_dim3A_345 : i32 to vector<16xi32>
      tpu.vector_store_idx %arg25[%iota3A, %broadcast_in_dim3A_346], %add3A_344 : memref<16x16xf32, #tpu.memory_space<vmem>>[vector<16xi32>, vector<16xi32>], vector<16xf32>,
      %broadcast_in_dim3A_347 = arith.constant 2 : i32
      %broadcast_in_dim3A_348 = vector.broadcast %broadcast_in_dim3A_347 : i32 to vector<16xi32>
      %broadcast_in_dim3A_349 = arith.constant 1 : i32
      %broadcast_in_dim3A_350 = vector.broadcast %broadcast_in_dim3A_349 : i32 to vector<16xi32>
      %gather3A_351 = tpu.vector_load_idx %arg19[%broadcast_in_dim3A_348, %broadcast_in_dim3A_350] : memref<8x4xf32, #tpu.memory_space<vmem>>[vector<16xi32>, vector<16xi32>], vector<16xf32>,
      %mul3A_352 = arith.mulf %gather3A, %gather3A_351 : vector<16xf32>
      %broadcast_in_dim3A_353 = arith.constant 3 : i32
      %broadcast_in_dim3A_354 = vector.broadcast %broadcast_in_dim3A_353 : i32 to vector<16xi32>
      %broadcast_in_dim3A_355 = arith.constant 1 : i32
      %broadcast_in_dim3A_356 = vector.broadcast %broadcast_in_dim3A_355 : i32 to vector<16xi32>
      %gather3A_357 = tpu.vector_load_idx %arg19[%broadcast_in_dim3A_354, %broadcast_in_dim3A_356] : memref<8x4xf32, #tpu.memory_space<vmem>>[vector<16xi32>, vector<16xi32>], vector<16xf32>,
      %mul3A_358 = arith.mulf %gather3A_109, %gather3A_357 : vector<16xf32>
      %add3A_359 = arith.addf %mul3A_352, %mul3A_358 : vector<16xf32>
      %broadcast_in_dim3A_360 = arith.constant 4 : i32
      %broadcast_in_dim3A_361 = vector.broadcast %broadcast_in_dim3A_360 : i32 to vector<16xi32>
      %broadcast_in_dim3A_362 = arith.constant 1 : i32
      %broadcast_in_dim3A_363 = vector.broadcast %broadcast_in_dim3A_362 : i32 to vector<16xi32>
      %gather3A_364 = tpu.vector_load_idx %arg19[%broadcast_in_dim3A_361, %broadcast_in_dim3A_363] : memref<8x4xf32, #tpu.memory_space<vmem>>[vector<16xi32>, vector<16xi32>], vector<16xf32>,
      %mul3A_365 = arith.mulf %gather3A_112, %gather3A_364 : vector<16xf32>
      %add3A_366 = arith.addf %add3A_359, %mul3A_365 : vector<16xf32>
      %broadcast_in_dim3A_367 = arith.constant 9 : i32
      %broadcast_in_dim3A_368 = vector.broadcast %broadcast_in_dim3A_367 : i32 to vector<16xi32>
      %gather3A_369 = tpu.vector_load_idx %arg20[%broadcast_in_dim3A_368] : memref<12xf32, #tpu.memory_space<vmem>>[vector<16xi32>], vector<16xf32>,
      %add3A_370 = arith.addf %add3A_366, %gather3A_369 : vector<16xf32>
      %broadcast_in_dim3A_371 = arith.constant 13 : i32
      %broadcast_in_dim3A_372 = vector.broadcast %broadcast_in_dim3A_371 : i32 to vector<16xi32>
      tpu.vector_store_idx %arg25[%iota3A, %broadcast_in_dim3A_372], %add3A_370 : memref<16x16xf32, #tpu.memory_space<vmem>>[vector<16xi32>, vector<16xi32>], vector<16xf32>,
      %broadcast_in_dim3A_373 = arith.constant 2 : i32
      %broadcast_in_dim3A_374 = vector.broadcast %broadcast_in_dim3A_373 : i32 to vector<16xi32>
      %broadcast_in_dim3A_375 = arith.constant 2 : i32
      %broadcast_in_dim3A_376 = vector.broadcast %broadcast_in_dim3A_375 : i32 to vector<16xi32>
      %gather3A_377 = tpu.vector_load_idx %arg19[%broadcast_in_dim3A_374, %broadcast_in_dim3A_376] : memref<8x4xf32, #tpu.memory_space<vmem>>[vector<16xi32>, vector<16xi32>], vector<16xf32>,
      %mul3A_378 = arith.mulf %gather3A, %gather3A_377 : vector<16xf32>
      %broadcast_in_dim3A_379 = arith.constant 3 : i32
      %broadcast_in_dim3A_380 = vector.broadcast %broadcast_in_dim3A_379 : i32 to vector<16xi32>
      %broadcast_in_dim3A_381 = arith.constant 2 : i32
      %broadcast_in_dim3A_382 = vector.broadcast %broadcast_in_dim3A_381 : i32 to vector<16xi32>
      %gather3A_383 = tpu.vector_load_idx %arg19[%broadcast_in_dim3A_380, %broadcast_in_dim3A_382] : memref<8x4xf32, #tpu.memory_space<vmem>>[vector<16xi32>, vector<16xi32>], vector<16xf32>,
      %mul3A_384 = arith.mulf %gather3A_109, %gather3A_383 : vector<16xf32>
      %add3A_385 = arith.addf %mul3A_378, %mul3A_384 : vector<16xf32>
      %broadcast_in_dim3A_386 = arith.constant 4 : i32
      %broadcast_in_dim3A_387 = vector.broadcast %broadcast_in_dim3A_386 : i32 to vector<16xi32>
      %broadcast_in_dim3A_388 = arith.constant 2 : i32
      %broadcast_in_dim3A_389 = vector.broadcast %broadcast_in_dim3A_388 : i32 to vector<16xi32>
      %gather3A_390 = tpu.vector_load_idx %arg19[%broadcast_in_dim3A_387, %broadcast_in_dim3A_389] : memref<8x4xf32, #tpu.memory_space<vmem>>[vector<16xi32>, vector<16xi32>], vector<16xf32>,
      %mul3A_391 = arith.mulf %gather3A_112, %gather3A_390 : vector<16xf32>
      %add3A_392 = arith.addf %add3A_385, %mul3A_391 : vector<16xf32>
      %broadcast_in_dim3A_393 = arith.constant 10 : i32
      %broadcast_in_dim3A_394 = vector.broadcast %broadcast_in_dim3A_393 : i32 to vector<16xi32>
      %gather3A_395 = tpu.vector_load_idx %arg20[%broadcast_in_dim3A_394] : memref<12xf32, #tpu.memory_space<vmem>>[vector<16xi32>], vector<16xf32>,
      %add3A_396 = arith.addf %add3A_392, %gather3A_395 : vector<16xf32>
      %broadcast_in_dim3A_397 = arith.constant 14 : i32
      %broadcast_in_dim3A_398 = vector.broadcast %broadcast_in_dim3A_397 : i32 to vector<16xi32>
      tpu.vector_store_idx %arg25[%iota3A, %broadcast_in_dim3A_398], %add3A_396 : memref<16x16xf32, #tpu.memory_space<vmem>>[vector<16xi32>, vector<16xi32>], vector<16xf32>,
      %broadcast_in_dim3A_399 = arith.constant 2 : i32
      %broadcast_in_dim3A_400 = vector.broadcast %broadcast_in_dim3A_399 : i32 to vector<16xi32>
      %broadcast_in_dim3A_401 = arith.constant 3 : i32
      %broadcast_in_dim3A_402 = vector.broadcast %broadcast_in_dim3A_401 : i32 to vector<16xi32>
      %gather3A_403 = tpu.vector_load_idx %arg19[%broadcast_in_dim3A_400, %broadcast_in_dim3A_402] : memref<8x4xf32, #tpu.memory_space<vmem>>[vector<16xi32>, vector<16xi32>], vector<16xf32>,
      %mul3A_404 = arith.mulf %gather3A, %gather3A_403 : vector<16xf32>
      %broadcast_in_dim3A_405 = arith.constant 3 : i32
      %broadcast_in_dim3A_406 = vector.broadcast %broadcast_in_dim3A_405 : i32 to vector<16xi32>
      %broadcast_in_dim3A_407 = arith.constant 3 : i32
      %broadcast_in_dim3A_408 = vector.broadcast %broadcast_in_dim3A_407 : i32 to vector<16xi32>
      %gather3A_409 = tpu.vector_load_idx %arg19[%broadcast_in_dim3A_406, %broadcast_in_dim3A_408] : memref<8x4xf32, #tpu.memory_space<vmem>>[vector<16xi32>, vector<16xi32>], vector<16xf32>,
      %mul3A_410 = arith.mulf %gather3A_109, %gather3A_409 : vector<16xf32>
      %add3A_411 = arith.addf %mul3A_404, %mul3A_410 : vector<16xf32>
      %broadcast_in_dim3A_412 = arith.constant 4 : i32
      %broadcast_in_dim3A_413 = vector.broadcast %broadcast_in_dim3A_412 : i32 to vector<16xi32>
      %broadcast_in_dim3A_414 = arith.constant 3 : i32
      %broadcast_in_dim3A_415 = vector.broadcast %broadcast_in_dim3A_414 : i32 to vector<16xi32>
      %gather3A_416 = tpu.vector_load_idx %arg19[%broadcast_in_dim3A_413, %broadcast_in_dim3A_415] : memref<8x4xf32, #tpu.memory_space<vmem>>[vector<16xi32>, vector<16xi32>], vector<16xf32>,
      %mul3A_417 = arith.mulf %gather3A_112, %gather3A_416 : vector<16xf32>
      %add3A_418 = arith.addf %add3A_411, %mul3A_417 : vector<16xf32>
      %broadcast_in_dim3A_419 = arith.constant 11 : i32
      %broadcast_in_dim3A_420 = vector.broadcast %broadcast_in_dim3A_419 : i32 to vector<16xi32>
      %gather3A_421 = tpu.vector_load_idx %arg20[%broadcast_in_dim3A_420] : memref<12xf32, #tpu.memory_space<vmem>>[vector<16xi32>], vector<16xf32>,
      %add3A_422 = arith.addf %add3A_418, %gather3A_421 : vector<16xf32>
      %broadcast_in_dim3A_423 = arith.constant 15 : i32
      %broadcast_in_dim3A_424 = vector.broadcast %broadcast_in_dim3A_423 : i32 to vector<16xi32>
      tpu.vector_store_idx %arg25[%iota3A, %broadcast_in_dim3A_424], %add3A_422 : memref<16x16xf32, #tpu.memory_space<vmem>>[vector<16xi32>, vector<16xi32>], vector<16xf32>,
      "tpu.region"() ({
        %run_scoped3A = tpu.sem_alloc : memref<!tpu.dma_semaphore, #tpu.memory_space<semaphore_mem>>
        %dma_start3A_425 = arith.constant 0 : i32
        %dma_start3A_426 = arith.constant 0 : i32
        %dma_start3A_427 = tpu.memref_slice %arg25[%dma_start3A_425, %dma_start3A_426] : memref<16x16xf32, #tpu.memory_space<vmem>> -> memref<16x16xf32, #tpu.memory_space<vmem>>
        %dma_start3A_428 = arith.constant 0 : i32
        %dma_start3A_429 = tpu.memref_slice %arg13[%multiple_of3A, %dma_start3A_428] : memref<97x16xf32, #tpu.memory_space<hbm>> -> memref<16x16xf32, #tpu.memory_space<hbm>>
        %dma_start3A_430 = arith.constant 0 : i32
        %dma_start3A_431 = tpu.memref_slice %arg13[%multiple_of3A, %dma_start3A_430] : memref<97x16xf32, #tpu.memory_space<hbm>> -> memref<16x16xf32, #tpu.memory_space<hbm>>
        %dma_start3A_432 = arith.constant 0 : i32
        %dma_start3A_433 = arith.constant 0 : i32
        %dma_start3A_434 = tpu.memref_slice %arg25[%dma_start3A_432, %dma_start3A_433] : memref<16x16xf32, #tpu.memory_space<vmem>> -> memref<16x16xf32, #tpu.memory_space<vmem>>
        tpu.enqueue_dma source(%dma_start3A_434 : memref<16x16xf32, #tpu.memory_space<vmem>>) target(%dma_start3A_431 : memref<16x16xf32, #tpu.memory_space<hbm>>) target_semaphore(%run_scoped3A : memref<!tpu.dma_semaphore, #tpu.memory_space<semaphore_mem>>)
        %dma_wait3A_435 = arith.constant 0 : i32
        %dma_wait3A_436 = arith.constant 0 : i32
        %dma_wait3A_437 = tpu.memref_slice %arg25[%dma_wait3A_435, %dma_wait3A_436] : memref<16x16xf32, #tpu.memory_space<vmem>> -> memref<16x16xf32, #tpu.memory_space<vmem>>
        %dma_wait3A_438 = arith.constant 0 : i32
        %dma_wait3A_439 = tpu.memref_slice %arg13[%multiple_of3A, %dma_wait3A_438] : memref<97x16xf32, #tpu.memory_space<hbm>> -> memref<16x16xf32, #tpu.memory_space<hbm>>
        %dma_wait3A_440 = arith.constant 0 : i32
        %dma_wait3A_441 = tpu.memref_slice %arg13[%multiple_of3A, %dma_wait3A_440] : memref<97x16xf32, #tpu.memory_space<hbm>> -> memref<16x16xf32, #tpu.memory_space<hbm>>
        %dma_wait3A_442 = arith.constant 0 : i32
        %dma_wait3A_443 = arith.constant 0 : i32
        %dma_wait3A_444 = tpu.memref_slice %arg25[%dma_wait3A_442, %dma_wait3A_443] : memref<16x16xf32, #tpu.memory_space<vmem>> -> memref<16x16xf32, #tpu.memory_space<vmem>>
        tpu.wait_dma2 semaphore(%run_scoped3A : memref<!tpu.dma_semaphore, #tpu.memory_space<semaphore_mem>>) src(%dma_wait3A_444 : memref<16x16xf32, #tpu.memory_space<vmem>>) dst(%dma_wait3A_441 : memref<16x16xf32, #tpu.memory_space<hbm>>)
        tpu.yield
      }) : () -> ()
    } else {
    }
    %eq3A = arith.constant 6 : i32
    %eq3A_2 = arith.cmpi eq, %arg1, %eq3A : i32
    %convert_element_type3A_3 = arith.extui %eq3A_2 : i1 to i32
    %cond3A_4 = arith.constant 0 : i32
    %cond3A_5 = arith.cmpi ne, %convert_element_type3A_3, %cond3A_4 : i32
    scf.if %cond3A_5 {
      tpu.enqueue_dma source(%arg5 : memref<8x3xf32, #tpu.memory_space<hbm>>) target(%arg17 : memref<8x3xf32, #tpu.memory_space<vmem>>) target_semaphore(%arg26 : memref<!tpu.dma_semaphore, #tpu.memory_space<semaphore_mem>>)
      tpu.enqueue_dma source(%arg6 : memref<5x3xf32, #tpu.memory_space<hbm>>) target(%arg18 : memref<5x3xf32, #tpu.memory_space<vmem>>) target_semaphore(%arg26 : memref<!tpu.dma_semaphore, #tpu.memory_space<semaphore_mem>>)
      %dma_start3A = arith.constant 2 : i32
      %dma_start3A_6 = arith.constant 0 : i32
      %dma_start3A_7 = tpu.memref_slice %arg19[%dma_start3A, %dma_start3A_6] : memref<8x4xf32, #tpu.memory_space<vmem>> -> memref<3x4xf32, #tpu.memory_space<vmem>>
      %dma_start3A_8 = arith.constant 2 : i32
      %dma_start3A_9 = arith.constant 0 : i32
      %dma_start3A_10 = tpu.memref_slice %arg19[%dma_start3A_8, %dma_start3A_9] : memref<8x4xf32, #tpu.memory_space<vmem>> -> memref<3x4xf32, #tpu.memory_space<vmem>>
      tpu.enqueue_dma source(%arg7 : memref<3x4xf32, #tpu.memory_space<hbm>>) target(%dma_start3A_10 : memref<3x4xf32, #tpu.memory_space<vmem>>) target_semaphore(%arg26 : memref<!tpu.dma_semaphore, #tpu.memory_space<semaphore_mem>>)
      %dma_start3A_11 = arith.constant 8 : i32
      %dma_start3A_12 = tpu.memref_slice %arg20[%dma_start3A_11] : memref<12xf32, #tpu.memory_space<vmem>> -> memref<4xf32, #tpu.memory_space<vmem>>
      %dma_start3A_13 = arith.constant 8 : i32
      %dma_start3A_14 = tpu.memref_slice %arg20[%dma_start3A_13] : memref<12xf32, #tpu.memory_space<vmem>> -> memref<4xf32, #tpu.memory_space<vmem>>
      tpu.enqueue_dma source(%arg8 : memref<4xf32, #tpu.memory_space<hbm>>) target(%dma_start3A_14 : memref<4xf32, #tpu.memory_space<vmem>>) target_semaphore(%arg26 : memref<!tpu.dma_semaphore, #tpu.memory_space<semaphore_mem>>)
      %dma_start3A_15 = arith.constant 2 : i32
      %dma_start3A_16 = arith.constant 0 : i32
      %dma_start3A_17 = tpu.memref_slice %arg21[%dma_start3A_15, %dma_start3A_16] : memref<8x4xf32, #tpu.memory_space<vmem>> -> memref<3x4xf32, #tpu.memory_space<vmem>>
      %dma_start3A_18 = arith.constant 2 : i32
      %dma_start3A_19 = arith.constant 0 : i32
      %dma_start3A_20 = tpu.memref_slice %arg21[%dma_start3A_18, %dma_start3A_19] : memref<8x4xf32, #tpu.memory_space<vmem>> -> memref<3x4xf32, #tpu.memory_space<vmem>>
      tpu.enqueue_dma source(%arg9 : memref<3x4xf32, #tpu.memory_space<hbm>>) target(%dma_start3A_20 : memref<3x4xf32, #tpu.memory_space<vmem>>) target_semaphore(%arg26 : memref<!tpu.dma_semaphore, #tpu.memory_space<semaphore_mem>>)
      %dma_start3A_21 = arith.constant 8 : i32
      %dma_start3A_22 = tpu.memref_slice %arg22[%dma_start3A_21] : memref<12xf32, #tpu.memory_space<vmem>> -> memref<4xf32, #tpu.memory_space<vmem>>
      %dma_start3A_23 = arith.constant 8 : i32
      %dma_start3A_24 = tpu.memref_slice %arg22[%dma_start3A_23] : memref<12xf32, #tpu.memory_space<vmem>> -> memref<4xf32, #tpu.memory_space<vmem>>
      tpu.enqueue_dma source(%arg10 : memref<4xf32, #tpu.memory_space<hbm>>) target(%dma_start3A_24 : memref<4xf32, #tpu.memory_space<vmem>>) target_semaphore(%arg26 : memref<!tpu.dma_semaphore, #tpu.memory_space<semaphore_mem>>)
      %dma_start3A_25 = arith.constant 1 : i32
      %dma_start3A_26 = arith.constant 0 : i32
      %dma_start3A_27 = tpu.memref_slice %arg23[%dma_start3A_25, %dma_start3A_26] : memref<2x8xf32, #tpu.memory_space<vmem>> -> memref<1x8xf32, #tpu.memory_space<vmem>>
      %dma_start3A_28 = arith.constant 1 : i32
      %dma_start3A_29 = arith.constant 0 : i32
      %dma_start3A_30 = tpu.memref_slice %arg23[%dma_start3A_28, %dma_start3A_29] : memref<2x8xf32, #tpu.memory_space<vmem>> -> memref<1x8xf32, #tpu.memory_space<vmem>>
      tpu.enqueue_dma source(%arg11 : memref<1x8xf32, #tpu.memory_space<hbm>>) target(%dma_start3A_30 : memref<1x8xf32, #tpu.memory_space<vmem>>) target_semaphore(%arg26 : memref<!tpu.dma_semaphore, #tpu.memory_space<semaphore_mem>>)
      %dma_start3A_31 = arith.constant 8 : i32
      %dma_start3A_32 = tpu.memref_slice %arg24[%dma_start3A_31] : memref<16xf32, #tpu.memory_space<vmem>> -> memref<8xf32, #tpu.memory_space<vmem>>
      %dma_start3A_33 = arith.constant 8 : i32
      %dma_start3A_34 = tpu.memref_slice %arg24[%dma_start3A_33] : memref<16xf32, #tpu.memory_space<vmem>> -> memref<8xf32, #tpu.memory_space<vmem>>
      tpu.enqueue_dma source(%arg12 : memref<8xf32, #tpu.memory_space<hbm>>) target(%dma_start3A_34 : memref<8xf32, #tpu.memory_space<vmem>>) target_semaphore(%arg26 : memref<!tpu.dma_semaphore, #tpu.memory_space<semaphore_mem>>)
      %broadcast_in_dim3A = arith.constant 0.000000e+00 : f32
      %broadcast_in_dim3A_35 = vector.broadcast %broadcast_in_dim3A : f32 to vector<16xf32>
      %swap3A = arith.constant 0 : index
      %swap3A_36 = tpu.vector_load %arg14[%swap3A] {strides = array<i32>} : memref<16xf32, #tpu.memory_space<vmem>>, vector<16xf32>,
      tpu.vector_store %arg14[%swap3A], %broadcast_in_dim3A_35 {strides = array<i32>} : memref<16xf32, #tpu.memory_space<vmem>>, vector<16xf32>,
      %broadcast_in_dim3A_37 = arith.constant 0 : i32
      %broadcast_in_dim3A_38 = vector.broadcast %broadcast_in_dim3A_37 : i32 to vector<16xi32>
      %swap3A_39 = arith.constant 0 : index
      %swap3A_40 = tpu.vector_load %arg15[%swap3A_39] {strides = array<i32>} : memref<16xi32, #tpu.memory_space<vmem>>, vector<16xi32>,
      tpu.vector_store %arg15[%swap3A_39], %broadcast_in_dim3A_38 {strides = array<i32>} : memref<16xi32, #tpu.memory_space<vmem>>, vector<16xi32>,
      %broadcast_in_dim3A_41 = arith.constant 0 : i32
      %broadcast_in_dim3A_42 = vector.broadcast %broadcast_in_dim3A_41 : i32 to vector<16xi32>
      %swap3A_43 = arith.constant 0 : index
      %swap3A_44 = tpu.vector_load %arg16[%swap3A_43] {strides = array<i32>} : memref<16xi32, #tpu.memory_space<vmem>>, vector<16xi32>,
      tpu.vector_store %arg16[%swap3A_43], %broadcast_in_dim3A_42 {strides = array<i32>} : memref<16xi32, #tpu.memory_space<vmem>>, vector<16xi32>,
      %dma_start3A_45 = arith.constant 0 : i32
      %dma_start3A_46 = tpu.memref_slice %arg14[%dma_start3A_45] : memref<16xf32, #tpu.memory_space<vmem>> -> memref<1xf32, #tpu.memory_space<vmem>>
      %dma_start3A_47 = arith.constant 96 : i32
      %dma_start3A_48 = tpu.memref_slice %arg2[%dma_start3A_47] : memref<97xf32, #tpu.memory_space<hbm>> -> memref<1xf32, #tpu.memory_space<hbm>>
      %dma_start3A_49 = arith.constant 0 : i32
      %dma_start3A_50 = tpu.memref_slice %arg14[%dma_start3A_49] : memref<16xf32, #tpu.memory_space<vmem>> -> memref<1xf32, #tpu.memory_space<vmem>>
      %dma_start3A_51 = arith.constant 96 : i32
      %dma_start3A_52 = tpu.memref_slice %arg2[%dma_start3A_51] : memref<97xf32, #tpu.memory_space<hbm>> -> memref<1xf32, #tpu.memory_space<hbm>>
      tpu.enqueue_dma source(%dma_start3A_52 : memref<1xf32, #tpu.memory_space<hbm>>) target(%dma_start3A_50 : memref<1xf32, #tpu.memory_space<vmem>>) target_semaphore(%arg26 : memref<!tpu.dma_semaphore, #tpu.memory_space<semaphore_mem>>)
      %dma_start3A_53 = arith.constant 0 : i32
      %dma_start3A_54 = tpu.memref_slice %arg15[%dma_start3A_53] : memref<16xi32, #tpu.memory_space<vmem>> -> memref<1xi32, #tpu.memory_space<vmem>>
      %dma_start3A_55 = arith.constant 96 : i32
      %dma_start3A_56 = tpu.memref_slice %arg3[%dma_start3A_55] : memref<97xi32, #tpu.memory_space<hbm>> -> memref<1xi32, #tpu.memory_space<hbm>>
      %dma_start3A_57 = arith.constant 0 : i32
      %dma_start3A_58 = tpu.memref_slice %arg15[%dma_start3A_57] : memref<16xi32, #tpu.memory_space<vmem>> -> memref<1xi32, #tpu.memory_space<vmem>>
      %dma_start3A_59 = arith.constant 96 : i32
      %dma_start3A_60 = tpu.memref_slice %arg3[%dma_start3A_59] : memref<97xi32, #tpu.memory_space<hbm>> -> memref<1xi32, #tpu.memory_space<hbm>>
      tpu.enqueue_dma source(%dma_start3A_60 : memref<1xi32, #tpu.memory_space<hbm>>) target(%dma_start3A_58 : memref<1xi32, #tpu.memory_space<vmem>>) target_semaphore(%arg26 : memref<!tpu.dma_semaphore, #tpu.memory_space<semaphore_mem>>)
      %dma_start3A_61 = arith.constant 0 : i32
      %dma_start3A_62 = tpu.memref_slice %arg16[%dma_start3A_61] : memref<16xi32, #tpu.memory_space<vmem>> -> memref<1xi32, #tpu.memory_space<vmem>>
      %dma_start3A_63 = arith.constant 96 : i32
      %dma_start3A_64 = tpu.memref_slice %arg4[%dma_start3A_63] : memref<97xi32, #tpu.memory_space<hbm>> -> memref<1xi32, #tpu.memory_space<hbm>>
      %dma_start3A_65 = arith.constant 0 : i32
      %dma_start3A_66 = tpu.memref_slice %arg16[%dma_start3A_65] : memref<16xi32, #tpu.memory_space<vmem>> -> memref<1xi32, #tpu.memory_space<vmem>>
      %dma_start3A_67 = arith.constant 96 : i32
      %dma_start3A_68 = tpu.memref_slice %arg4[%dma_start3A_67] : memref<97xi32, #tpu.memory_space<hbm>> -> memref<1xi32, #tpu.memory_space<hbm>>
      tpu.enqueue_dma source(%dma_start3A_68 : memref<1xi32, #tpu.memory_space<hbm>>) target(%dma_start3A_66 : memref<1xi32, #tpu.memory_space<vmem>>) target_semaphore(%arg26 : memref<!tpu.dma_semaphore, #tpu.memory_space<semaphore_mem>>)
      tpu.wait_dma2 semaphore(%arg26 : memref<!tpu.dma_semaphore, #tpu.memory_space<semaphore_mem>>) src(%arg5 : memref<8x3xf32, #tpu.memory_space<hbm>>) dst(%arg17 : memref<8x3xf32, #tpu.memory_space<vmem>>)
      tpu.wait_dma2 semaphore(%arg26 : memref<!tpu.dma_semaphore, #tpu.memory_space<semaphore_mem>>) src(%arg6 : memref<5x3xf32, #tpu.memory_space<hbm>>) dst(%arg18 : memref<5x3xf32, #tpu.memory_space<vmem>>)
      %dma_wait3A = arith.constant 2 : i32
      %dma_wait3A_69 = arith.constant 0 : i32
      %dma_wait3A_70 = tpu.memref_slice %arg19[%dma_wait3A, %dma_wait3A_69] : memref<8x4xf32, #tpu.memory_space<vmem>> -> memref<3x4xf32, #tpu.memory_space<vmem>>
      %dma_wait3A_71 = arith.constant 2 : i32
      %dma_wait3A_72 = arith.constant 0 : i32
      %dma_wait3A_73 = tpu.memref_slice %arg19[%dma_wait3A_71, %dma_wait3A_72] : memref<8x4xf32, #tpu.memory_space<vmem>> -> memref<3x4xf32, #tpu.memory_space<vmem>>
      tpu.wait_dma2 semaphore(%arg26 : memref<!tpu.dma_semaphore, #tpu.memory_space<semaphore_mem>>) src(%arg7 : memref<3x4xf32, #tpu.memory_space<hbm>>) dst(%dma_wait3A_73 : memref<3x4xf32, #tpu.memory_space<vmem>>)
      %dma_wait3A_74 = arith.constant 8 : i32
      %dma_wait3A_75 = tpu.memref_slice %arg20[%dma_wait3A_74] : memref<12xf32, #tpu.memory_space<vmem>> -> memref<4xf32, #tpu.memory_space<vmem>>
      %dma_wait3A_76 = arith.constant 8 : i32
      %dma_wait3A_77 = tpu.memref_slice %arg20[%dma_wait3A_76] : memref<12xf32, #tpu.memory_space<vmem>> -> memref<4xf32, #tpu.memory_space<vmem>>
      tpu.wait_dma2 semaphore(%arg26 : memref<!tpu.dma_semaphore, #tpu.memory_space<semaphore_mem>>) src(%arg8 : memref<4xf32, #tpu.memory_space<hbm>>) dst(%dma_wait3A_77 : memref<4xf32, #tpu.memory_space<vmem>>)
      %dma_wait3A_78 = arith.constant 2 : i32
      %dma_wait3A_79 = arith.constant 0 : i32
      %dma_wait3A_80 = tpu.memref_slice %arg21[%dma_wait3A_78, %dma_wait3A_79] : memref<8x4xf32, #tpu.memory_space<vmem>> -> memref<3x4xf32, #tpu.memory_space<vmem>>
      %dma_wait3A_81 = arith.constant 2 : i32
      %dma_wait3A_82 = arith.constant 0 : i32
      %dma_wait3A_83 = tpu.memref_slice %arg21[%dma_wait3A_81, %dma_wait3A_82] : memref<8x4xf32, #tpu.memory_space<vmem>> -> memref<3x4xf32, #tpu.memory_space<vmem>>
      tpu.wait_dma2 semaphore(%arg26 : memref<!tpu.dma_semaphore, #tpu.memory_space<semaphore_mem>>) src(%arg9 : memref<3x4xf32, #tpu.memory_space<hbm>>) dst(%dma_wait3A_83 : memref<3x4xf32, #tpu.memory_space<vmem>>)
      %dma_wait3A_84 = arith.constant 8 : i32
      %dma_wait3A_85 = tpu.memref_slice %arg22[%dma_wait3A_84] : memref<12xf32, #tpu.memory_space<vmem>> -> memref<4xf32, #tpu.memory_space<vmem>>
      %dma_wait3A_86 = arith.constant 8 : i32
      %dma_wait3A_87 = tpu.memref_slice %arg22[%dma_wait3A_86] : memref<12xf32, #tpu.memory_space<vmem>> -> memref<4xf32, #tpu.memory_space<vmem>>
      tpu.wait_dma2 semaphore(%arg26 : memref<!tpu.dma_semaphore, #tpu.memory_space<semaphore_mem>>) src(%arg10 : memref<4xf32, #tpu.memory_space<hbm>>) dst(%dma_wait3A_87 : memref<4xf32, #tpu.memory_space<vmem>>)
      %dma_wait3A_88 = arith.constant 1 : i32
      %dma_wait3A_89 = arith.constant 0 : i32
      %dma_wait3A_90 = tpu.memref_slice %arg23[%dma_wait3A_88, %dma_wait3A_89] : memref<2x8xf32, #tpu.memory_space<vmem>> -> memref<1x8xf32, #tpu.memory_space<vmem>>
      %dma_wait3A_91 = arith.constant 1 : i32
      %dma_wait3A_92 = arith.constant 0 : i32
      %dma_wait3A_93 = tpu.memref_slice %arg23[%dma_wait3A_91, %dma_wait3A_92] : memref<2x8xf32, #tpu.memory_space<vmem>> -> memref<1x8xf32, #tpu.memory_space<vmem>>
      tpu.wait_dma2 semaphore(%arg26 : memref<!tpu.dma_semaphore, #tpu.memory_space<semaphore_mem>>) src(%arg11 : memref<1x8xf32, #tpu.memory_space<hbm>>) dst(%dma_wait3A_93 : memref<1x8xf32, #tpu.memory_space<vmem>>)
      %dma_wait3A_94 = arith.constant 8 : i32
      %dma_wait3A_95 = tpu.memref_slice %arg24[%dma_wait3A_94] : memref<16xf32, #tpu.memory_space<vmem>> -> memref<8xf32, #tpu.memory_space<vmem>>
      %dma_wait3A_96 = arith.constant 8 : i32
      %dma_wait3A_97 = tpu.memref_slice %arg24[%dma_wait3A_96] : memref<16xf32, #tpu.memory_space<vmem>> -> memref<8xf32, #tpu.memory_space<vmem>>
      tpu.wait_dma2 semaphore(%arg26 : memref<!tpu.dma_semaphore, #tpu.memory_space<semaphore_mem>>) src(%arg12 : memref<8xf32, #tpu.memory_space<hbm>>) dst(%dma_wait3A_97 : memref<8xf32, #tpu.memory_space<vmem>>)
      %dma_wait3A_98 = arith.constant 0 : i32
      %dma_wait3A_99 = tpu.memref_slice %arg14[%dma_wait3A_98] : memref<16xf32, #tpu.memory_space<vmem>> -> memref<1xf32, #tpu.memory_space<vmem>>
      %dma_wait3A_100 = arith.constant 96 : i32
      %dma_wait3A_101 = tpu.memref_slice %arg2[%dma_wait3A_100] : memref<97xf32, #tpu.memory_space<hbm>> -> memref<1xf32, #tpu.memory_space<hbm>>
      %dma_wait3A_102 = arith.constant 0 : i32
      %dma_wait3A_103 = tpu.memref_slice %arg14[%dma_wait3A_102] : memref<16xf32, #tpu.memory_space<vmem>> -> memref<1xf32, #tpu.memory_space<vmem>>
      %dma_wait3A_104 = arith.constant 96 : i32
      %dma_wait3A_105 = tpu.memref_slice %arg2[%dma_wait3A_104] : memref<97xf32, #tpu.memory_space<hbm>> -> memref<1xf32, #tpu.memory_space<hbm>>
      tpu.wait_dma2 semaphore(%arg26 : memref<!tpu.dma_semaphore, #tpu.memory_space<semaphore_mem>>) src(%dma_wait3A_105 : memref<1xf32, #tpu.memory_space<hbm>>) dst(%dma_wait3A_103 : memref<1xf32, #tpu.memory_space<vmem>>)
      %dma_wait3A_106 = arith.constant 0 : i32
      %dma_wait3A_107 = tpu.memref_slice %arg15[%dma_wait3A_106] : memref<16xi32, #tpu.memory_space<vmem>> -> memref<1xi32, #tpu.memory_space<vmem>>
      %dma_wait3A_108 = arith.constant 96 : i32
      %dma_wait3A_109 = tpu.memref_slice %arg3[%dma_wait3A_108] : memref<97xi32, #tpu.memory_space<hbm>> -> memref<1xi32, #tpu.memory_space<hbm>>
      %dma_wait3A_110 = arith.constant 0 : i32
      %dma_wait3A_111 = tpu.memref_slice %arg15[%dma_wait3A_110] : memref<16xi32, #tpu.memory_space<vmem>> -> memref<1xi32, #tpu.memory_space<vmem>>
      %dma_wait3A_112 = arith.constant 96 : i32
      %dma_wait3A_113 = tpu.memref_slice %arg3[%dma_wait3A_112] : memref<97xi32, #tpu.memory_space<hbm>> -> memref<1xi32, #tpu.memory_space<hbm>>
      tpu.wait_dma2 semaphore(%arg26 : memref<!tpu.dma_semaphore, #tpu.memory_space<semaphore_mem>>) src(%dma_wait3A_113 : memref<1xi32, #tpu.memory_space<hbm>>) dst(%dma_wait3A_111 : memref<1xi32, #tpu.memory_space<vmem>>)
      %dma_wait3A_114 = arith.constant 0 : i32
      %dma_wait3A_115 = tpu.memref_slice %arg16[%dma_wait3A_114] : memref<16xi32, #tpu.memory_space<vmem>> -> memref<1xi32, #tpu.memory_space<vmem>>
      %dma_wait3A_116 = arith.constant 96 : i32
      %dma_wait3A_117 = tpu.memref_slice %arg4[%dma_wait3A_116] : memref<97xi32, #tpu.memory_space<hbm>> -> memref<1xi32, #tpu.memory_space<hbm>>
      %dma_wait3A_118 = arith.constant 0 : i32
      %dma_wait3A_119 = tpu.memref_slice %arg16[%dma_wait3A_118] : memref<16xi32, #tpu.memory_space<vmem>> -> memref<1xi32, #tpu.memory_space<vmem>>
      %dma_wait3A_120 = arith.constant 96 : i32
      %dma_wait3A_121 = tpu.memref_slice %arg4[%dma_wait3A_120] : memref<97xi32, #tpu.memory_space<hbm>> -> memref<1xi32, #tpu.memory_space<hbm>>
      tpu.wait_dma2 semaphore(%arg26 : memref<!tpu.dma_semaphore, #tpu.memory_space<semaphore_mem>>) src(%dma_wait3A_121 : memref<1xi32, #tpu.memory_space<hbm>>) dst(%dma_wait3A_119 : memref<1xi32, #tpu.memory_space<vmem>>)
      %iota3A = tpu.iota {dimensions = array<i32: 0>} : vector<16xi32>
      %get3A = arith.constant 0 : index
      %get3A_122 = tpu.vector_load %arg14[%get3A] {strides = array<i32>} : memref<16xf32, #tpu.memory_space<vmem>>, vector<16xf32>,
      %get3A_123 = arith.constant 0 : index
      %get3A_124 = tpu.vector_load %arg15[%get3A_123] {strides = array<i32>} : memref<16xi32, #tpu.memory_space<vmem>>, vector<16xi32>,
      %get3A_125 = arith.constant 0 : index
      %get3A_126 = tpu.vector_load %arg16[%get3A_125] {strides = array<i32>} : memref<16xi32, #tpu.memory_space<vmem>>, vector<16xi32>,
      %broadcast_in_dim3A_127 = arith.constant 0 : i32
      %broadcast_in_dim3A_128 = vector.broadcast %broadcast_in_dim3A_127 : i32 to vector<16xi32>
      %gather3A = tpu.vector_load_idx %arg17[%get3A_124, %broadcast_in_dim3A_128] : memref<8x3xf32, #tpu.memory_space<vmem>>[vector<16xi32>, vector<16xi32>], vector<16xf32>,
      %broadcast_in_dim3A_129 = arith.constant 1 : i32
      %broadcast_in_dim3A_130 = vector.broadcast %broadcast_in_dim3A_129 : i32 to vector<16xi32>
      %gather3A_131 = tpu.vector_load_idx %arg17[%get3A_124, %broadcast_in_dim3A_130] : memref<8x3xf32, #tpu.memory_space<vmem>>[vector<16xi32>, vector<16xi32>], vector<16xf32>,
      %broadcast_in_dim3A_132 = arith.constant 2 : i32
      %broadcast_in_dim3A_133 = vector.broadcast %broadcast_in_dim3A_132 : i32 to vector<16xi32>
      %gather3A_134 = tpu.vector_load_idx %arg17[%get3A_124, %broadcast_in_dim3A_133] : memref<8x3xf32, #tpu.memory_space<vmem>>[vector<16xi32>, vector<16xi32>], vector<16xf32>,
      %broadcast_in_dim3A_135 = arith.constant 0 : i32
      %broadcast_in_dim3A_136 = vector.broadcast %broadcast_in_dim3A_135 : i32 to vector<16xi32>
      %gather3A_137 = tpu.vector_load_idx %arg18[%get3A_126, %broadcast_in_dim3A_136] : memref<5x3xf32, #tpu.memory_space<vmem>>[vector<16xi32>, vector<16xi32>], vector<16xf32>,
      %broadcast_in_dim3A_138 = arith.constant 1 : i32
      %broadcast_in_dim3A_139 = vector.broadcast %broadcast_in_dim3A_138 : i32 to vector<16xi32>
      %gather3A_140 = tpu.vector_load_idx %arg18[%get3A_126, %broadcast_in_dim3A_139] : memref<5x3xf32, #tpu.memory_space<vmem>>[vector<16xi32>, vector<16xi32>], vector<16xf32>,
      %broadcast_in_dim3A_141 = arith.constant 2 : i32
      %broadcast_in_dim3A_142 = vector.broadcast %broadcast_in_dim3A_141 : i32 to vector<16xi32>
      %gather3A_143 = tpu.vector_load_idx %arg18[%get3A_126, %broadcast_in_dim3A_142] : memref<5x3xf32, #tpu.memory_space<vmem>>[vector<16xi32>, vector<16xi32>], vector<16xf32>,
      %broadcast_in_dim3A_144 = arith.constant 1 : i32
      %broadcast_in_dim3A_145 = vector.broadcast %broadcast_in_dim3A_144 : i32 to vector<16xi32>
      %broadcast_in_dim3A_146 = arith.constant 0 : i32
      %broadcast_in_dim3A_147 = vector.broadcast %broadcast_in_dim3A_146 : i32 to vector<16xi32>
      %gather3A_148 = tpu.vector_load_idx %arg23[%broadcast_in_dim3A_145, %broadcast_in_dim3A_147] : memref<2x8xf32, #tpu.memory_space<vmem>>[vector<16xi32>, vector<16xi32>], vector<16xf32>,
      %mul3A = arith.mulf %get3A_122, %gather3A_148 : vector<16xf32>
      %broadcast_in_dim3A_149 = arith.constant 8 : i32
      %broadcast_in_dim3A_150 = vector.broadcast %broadcast_in_dim3A_149 : i32 to vector<16xi32>
      %gather3A_151 = tpu.vector_load_idx %arg24[%broadcast_in_dim3A_150] : memref<16xf32, #tpu.memory_space<vmem>>[vector<16xi32>], vector<16xf32>,
      %add3A = arith.addf %mul3A, %gather3A_151 : vector<16xf32>
      %broadcast_in_dim3A_152 = arith.constant 0 : i32
      %broadcast_in_dim3A_153 = vector.broadcast %broadcast_in_dim3A_152 : i32 to vector<16xi32>
      tpu.vector_store_idx %arg25[%iota3A, %broadcast_in_dim3A_153], %add3A : memref<16x16xf32, #tpu.memory_space<vmem>>[vector<16xi32>, vector<16xi32>], vector<16xf32>,
      %broadcast_in_dim3A_154 = arith.constant 1 : i32
      %broadcast_in_dim3A_155 = vector.broadcast %broadcast_in_dim3A_154 : i32 to vector<16xi32>
      %broadcast_in_dim3A_156 = arith.constant 1 : i32
      %broadcast_in_dim3A_157 = vector.broadcast %broadcast_in_dim3A_156 : i32 to vector<16xi32>
      %gather3A_158 = tpu.vector_load_idx %arg23[%broadcast_in_dim3A_155, %broadcast_in_dim3A_157] : memref<2x8xf32, #tpu.memory_space<vmem>>[vector<16xi32>, vector<16xi32>], vector<16xf32>,
      %mul3A_159 = arith.mulf %get3A_122, %gather3A_158 : vector<16xf32>
      %broadcast_in_dim3A_160 = arith.constant 9 : i32
      %broadcast_in_dim3A_161 = vector.broadcast %broadcast_in_dim3A_160 : i32 to vector<16xi32>
      %gather3A_162 = tpu.vector_load_idx %arg24[%broadcast_in_dim3A_161] : memref<16xf32, #tpu.memory_space<vmem>>[vector<16xi32>], vector<16xf32>,
      %add3A_163 = arith.addf %mul3A_159, %gather3A_162 : vector<16xf32>
      %broadcast_in_dim3A_164 = arith.constant 1 : i32
      %broadcast_in_dim3A_165 = vector.broadcast %broadcast_in_dim3A_164 : i32 to vector<16xi32>
      tpu.vector_store_idx %arg25[%iota3A, %broadcast_in_dim3A_165], %add3A_163 : memref<16x16xf32, #tpu.memory_space<vmem>>[vector<16xi32>, vector<16xi32>], vector<16xf32>,
      %broadcast_in_dim3A_166 = arith.constant 1 : i32
      %broadcast_in_dim3A_167 = vector.broadcast %broadcast_in_dim3A_166 : i32 to vector<16xi32>
      %broadcast_in_dim3A_168 = arith.constant 2 : i32
      %broadcast_in_dim3A_169 = vector.broadcast %broadcast_in_dim3A_168 : i32 to vector<16xi32>
      %gather3A_170 = tpu.vector_load_idx %arg23[%broadcast_in_dim3A_167, %broadcast_in_dim3A_169] : memref<2x8xf32, #tpu.memory_space<vmem>>[vector<16xi32>, vector<16xi32>], vector<16xf32>,
      %mul3A_171 = arith.mulf %get3A_122, %gather3A_170 : vector<16xf32>
      %broadcast_in_dim3A_172 = arith.constant 10 : i32
      %broadcast_in_dim3A_173 = vector.broadcast %broadcast_in_dim3A_172 : i32 to vector<16xi32>
      %gather3A_174 = tpu.vector_load_idx %arg24[%broadcast_in_dim3A_173] : memref<16xf32, #tpu.memory_space<vmem>>[vector<16xi32>], vector<16xf32>,
      %add3A_175 = arith.addf %mul3A_171, %gather3A_174 : vector<16xf32>
      %broadcast_in_dim3A_176 = arith.constant 2 : i32
      %broadcast_in_dim3A_177 = vector.broadcast %broadcast_in_dim3A_176 : i32 to vector<16xi32>
      tpu.vector_store_idx %arg25[%iota3A, %broadcast_in_dim3A_177], %add3A_175 : memref<16x16xf32, #tpu.memory_space<vmem>>[vector<16xi32>, vector<16xi32>], vector<16xf32>,
      %broadcast_in_dim3A_178 = arith.constant 1 : i32
      %broadcast_in_dim3A_179 = vector.broadcast %broadcast_in_dim3A_178 : i32 to vector<16xi32>
      %broadcast_in_dim3A_180 = arith.constant 3 : i32
      %broadcast_in_dim3A_181 = vector.broadcast %broadcast_in_dim3A_180 : i32 to vector<16xi32>
      %gather3A_182 = tpu.vector_load_idx %arg23[%broadcast_in_dim3A_179, %broadcast_in_dim3A_181] : memref<2x8xf32, #tpu.memory_space<vmem>>[vector<16xi32>, vector<16xi32>], vector<16xf32>,
      %mul3A_183 = arith.mulf %get3A_122, %gather3A_182 : vector<16xf32>
      %broadcast_in_dim3A_184 = arith.constant 11 : i32
      %broadcast_in_dim3A_185 = vector.broadcast %broadcast_in_dim3A_184 : i32 to vector<16xi32>
      %gather3A_186 = tpu.vector_load_idx %arg24[%broadcast_in_dim3A_185] : memref<16xf32, #tpu.memory_space<vmem>>[vector<16xi32>], vector<16xf32>,
      %add3A_187 = arith.addf %mul3A_183, %gather3A_186 : vector<16xf32>
      %broadcast_in_dim3A_188 = arith.constant 3 : i32
      %broadcast_in_dim3A_189 = vector.broadcast %broadcast_in_dim3A_188 : i32 to vector<16xi32>
      tpu.vector_store_idx %arg25[%iota3A, %broadcast_in_dim3A_189], %add3A_187 : memref<16x16xf32, #tpu.memory_space<vmem>>[vector<16xi32>, vector<16xi32>], vector<16xf32>,
      %broadcast_in_dim3A_190 = arith.constant 1 : i32
      %broadcast_in_dim3A_191 = vector.broadcast %broadcast_in_dim3A_190 : i32 to vector<16xi32>
      %broadcast_in_dim3A_192 = arith.constant 4 : i32
      %broadcast_in_dim3A_193 = vector.broadcast %broadcast_in_dim3A_192 : i32 to vector<16xi32>
      %gather3A_194 = tpu.vector_load_idx %arg23[%broadcast_in_dim3A_191, %broadcast_in_dim3A_193] : memref<2x8xf32, #tpu.memory_space<vmem>>[vector<16xi32>, vector<16xi32>], vector<16xf32>,
      %mul3A_195 = arith.mulf %get3A_122, %gather3A_194 : vector<16xf32>
      %broadcast_in_dim3A_196 = arith.constant 12 : i32
      %broadcast_in_dim3A_197 = vector.broadcast %broadcast_in_dim3A_196 : i32 to vector<16xi32>
      %gather3A_198 = tpu.vector_load_idx %arg24[%broadcast_in_dim3A_197] : memref<16xf32, #tpu.memory_space<vmem>>[vector<16xi32>], vector<16xf32>,
      %add3A_199 = arith.addf %mul3A_195, %gather3A_198 : vector<16xf32>
      %broadcast_in_dim3A_200 = arith.constant 4 : i32
      %broadcast_in_dim3A_201 = vector.broadcast %broadcast_in_dim3A_200 : i32 to vector<16xi32>
      tpu.vector_store_idx %arg25[%iota3A, %broadcast_in_dim3A_201], %add3A_199 : memref<16x16xf32, #tpu.memory_space<vmem>>[vector<16xi32>, vector<16xi32>], vector<16xf32>,
      %broadcast_in_dim3A_202 = arith.constant 1 : i32
      %broadcast_in_dim3A_203 = vector.broadcast %broadcast_in_dim3A_202 : i32 to vector<16xi32>
      %broadcast_in_dim3A_204 = arith.constant 5 : i32
      %broadcast_in_dim3A_205 = vector.broadcast %broadcast_in_dim3A_204 : i32 to vector<16xi32>
      %gather3A_206 = tpu.vector_load_idx %arg23[%broadcast_in_dim3A_203, %broadcast_in_dim3A_205] : memref<2x8xf32, #tpu.memory_space<vmem>>[vector<16xi32>, vector<16xi32>], vector<16xf32>,
      %mul3A_207 = arith.mulf %get3A_122, %gather3A_206 : vector<16xf32>
      %broadcast_in_dim3A_208 = arith.constant 13 : i32
      %broadcast_in_dim3A_209 = vector.broadcast %broadcast_in_dim3A_208 : i32 to vector<16xi32>
      %gather3A_210 = tpu.vector_load_idx %arg24[%broadcast_in_dim3A_209] : memref<16xf32, #tpu.memory_space<vmem>>[vector<16xi32>], vector<16xf32>,
      %add3A_211 = arith.addf %mul3A_207, %gather3A_210 : vector<16xf32>
      %broadcast_in_dim3A_212 = arith.constant 5 : i32
      %broadcast_in_dim3A_213 = vector.broadcast %broadcast_in_dim3A_212 : i32 to vector<16xi32>
      tpu.vector_store_idx %arg25[%iota3A, %broadcast_in_dim3A_213], %add3A_211 : memref<16x16xf32, #tpu.memory_space<vmem>>[vector<16xi32>, vector<16xi32>], vector<16xf32>,
      %broadcast_in_dim3A_214 = arith.constant 1 : i32
      %broadcast_in_dim3A_215 = vector.broadcast %broadcast_in_dim3A_214 : i32 to vector<16xi32>
      %broadcast_in_dim3A_216 = arith.constant 6 : i32
      %broadcast_in_dim3A_217 = vector.broadcast %broadcast_in_dim3A_216 : i32 to vector<16xi32>
      %gather3A_218 = tpu.vector_load_idx %arg23[%broadcast_in_dim3A_215, %broadcast_in_dim3A_217] : memref<2x8xf32, #tpu.memory_space<vmem>>[vector<16xi32>, vector<16xi32>], vector<16xf32>,
      %mul3A_219 = arith.mulf %get3A_122, %gather3A_218 : vector<16xf32>
      %broadcast_in_dim3A_220 = arith.constant 14 : i32
      %broadcast_in_dim3A_221 = vector.broadcast %broadcast_in_dim3A_220 : i32 to vector<16xi32>
      %gather3A_222 = tpu.vector_load_idx %arg24[%broadcast_in_dim3A_221] : memref<16xf32, #tpu.memory_space<vmem>>[vector<16xi32>], vector<16xf32>,
      %add3A_223 = arith.addf %mul3A_219, %gather3A_222 : vector<16xf32>
      %broadcast_in_dim3A_224 = arith.constant 6 : i32
      %broadcast_in_dim3A_225 = vector.broadcast %broadcast_in_dim3A_224 : i32 to vector<16xi32>
      tpu.vector_store_idx %arg25[%iota3A, %broadcast_in_dim3A_225], %add3A_223 : memref<16x16xf32, #tpu.memory_space<vmem>>[vector<16xi32>, vector<16xi32>], vector<16xf32>,
      %broadcast_in_dim3A_226 = arith.constant 1 : i32
      %broadcast_in_dim3A_227 = vector.broadcast %broadcast_in_dim3A_226 : i32 to vector<16xi32>
      %broadcast_in_dim3A_228 = arith.constant 7 : i32
      %broadcast_in_dim3A_229 = vector.broadcast %broadcast_in_dim3A_228 : i32 to vector<16xi32>
      %gather3A_230 = tpu.vector_load_idx %arg23[%broadcast_in_dim3A_227, %broadcast_in_dim3A_229] : memref<2x8xf32, #tpu.memory_space<vmem>>[vector<16xi32>, vector<16xi32>], vector<16xf32>,
      %mul3A_231 = arith.mulf %get3A_122, %gather3A_230 : vector<16xf32>
      %broadcast_in_dim3A_232 = arith.constant 15 : i32
      %broadcast_in_dim3A_233 = vector.broadcast %broadcast_in_dim3A_232 : i32 to vector<16xi32>
      %gather3A_234 = tpu.vector_load_idx %arg24[%broadcast_in_dim3A_233] : memref<16xf32, #tpu.memory_space<vmem>>[vector<16xi32>], vector<16xf32>,
      %add3A_235 = arith.addf %mul3A_231, %gather3A_234 : vector<16xf32>
      %broadcast_in_dim3A_236 = arith.constant 7 : i32
      %broadcast_in_dim3A_237 = vector.broadcast %broadcast_in_dim3A_236 : i32 to vector<16xi32>
      tpu.vector_store_idx %arg25[%iota3A, %broadcast_in_dim3A_237], %add3A_235 : memref<16x16xf32, #tpu.memory_space<vmem>>[vector<16xi32>, vector<16xi32>], vector<16xf32>,
      %broadcast_in_dim3A_238 = arith.constant 2 : i32
      %broadcast_in_dim3A_239 = vector.broadcast %broadcast_in_dim3A_238 : i32 to vector<16xi32>
      %broadcast_in_dim3A_240 = arith.constant 0 : i32
      %broadcast_in_dim3A_241 = vector.broadcast %broadcast_in_dim3A_240 : i32 to vector<16xi32>
      %gather3A_242 = tpu.vector_load_idx %arg21[%broadcast_in_dim3A_239, %broadcast_in_dim3A_241] : memref<8x4xf32, #tpu.memory_space<vmem>>[vector<16xi32>, vector<16xi32>], vector<16xf32>,
      %mul3A_243 = arith.mulf %gather3A_137, %gather3A_242 : vector<16xf32>
      %broadcast_in_dim3A_244 = arith.constant 3 : i32
      %broadcast_in_dim3A_245 = vector.broadcast %broadcast_in_dim3A_244 : i32 to vector<16xi32>
      %broadcast_in_dim3A_246 = arith.constant 0 : i32
      %broadcast_in_dim3A_247 = vector.broadcast %broadcast_in_dim3A_246 : i32 to vector<16xi32>
      %gather3A_248 = tpu.vector_load_idx %arg21[%broadcast_in_dim3A_245, %broadcast_in_dim3A_247] : memref<8x4xf32, #tpu.memory_space<vmem>>[vector<16xi32>, vector<16xi32>], vector<16xf32>,
      %mul3A_249 = arith.mulf %gather3A_140, %gather3A_248 : vector<16xf32>
      %add3A_250 = arith.addf %mul3A_243, %mul3A_249 : vector<16xf32>
      %broadcast_in_dim3A_251 = arith.constant 4 : i32
      %broadcast_in_dim3A_252 = vector.broadcast %broadcast_in_dim3A_251 : i32 to vector<16xi32>
      %broadcast_in_dim3A_253 = arith.constant 0 : i32
      %broadcast_in_dim3A_254 = vector.broadcast %broadcast_in_dim3A_253 : i32 to vector<16xi32>
      %gather3A_255 = tpu.vector_load_idx %arg21[%broadcast_in_dim3A_252, %broadcast_in_dim3A_254] : memref<8x4xf32, #tpu.memory_space<vmem>>[vector<16xi32>, vector<16xi32>], vector<16xf32>,
      %mul3A_256 = arith.mulf %gather3A_143, %gather3A_255 : vector<16xf32>
      %add3A_257 = arith.addf %add3A_250, %mul3A_256 : vector<16xf32>
      %broadcast_in_dim3A_258 = arith.constant 8 : i32
      %broadcast_in_dim3A_259 = vector.broadcast %broadcast_in_dim3A_258 : i32 to vector<16xi32>
      %gather3A_260 = tpu.vector_load_idx %arg22[%broadcast_in_dim3A_259] : memref<12xf32, #tpu.memory_space<vmem>>[vector<16xi32>], vector<16xf32>,
      %add3A_261 = arith.addf %add3A_257, %gather3A_260 : vector<16xf32>
      %broadcast_in_dim3A_262 = arith.constant 8 : i32
      %broadcast_in_dim3A_263 = vector.broadcast %broadcast_in_dim3A_262 : i32 to vector<16xi32>
      tpu.vector_store_idx %arg25[%iota3A, %broadcast_in_dim3A_263], %add3A_261 : memref<16x16xf32, #tpu.memory_space<vmem>>[vector<16xi32>, vector<16xi32>], vector<16xf32>,
      %broadcast_in_dim3A_264 = arith.constant 2 : i32
      %broadcast_in_dim3A_265 = vector.broadcast %broadcast_in_dim3A_264 : i32 to vector<16xi32>
      %broadcast_in_dim3A_266 = arith.constant 1 : i32
      %broadcast_in_dim3A_267 = vector.broadcast %broadcast_in_dim3A_266 : i32 to vector<16xi32>
      %gather3A_268 = tpu.vector_load_idx %arg21[%broadcast_in_dim3A_265, %broadcast_in_dim3A_267] : memref<8x4xf32, #tpu.memory_space<vmem>>[vector<16xi32>, vector<16xi32>], vector<16xf32>,
      %mul3A_269 = arith.mulf %gather3A_137, %gather3A_268 : vector<16xf32>
      %broadcast_in_dim3A_270 = arith.constant 3 : i32
      %broadcast_in_dim3A_271 = vector.broadcast %broadcast_in_dim3A_270 : i32 to vector<16xi32>
      %broadcast_in_dim3A_272 = arith.constant 1 : i32
      %broadcast_in_dim3A_273 = vector.broadcast %broadcast_in_dim3A_272 : i32 to vector<16xi32>
      %gather3A_274 = tpu.vector_load_idx %arg21[%broadcast_in_dim3A_271, %broadcast_in_dim3A_273] : memref<8x4xf32, #tpu.memory_space<vmem>>[vector<16xi32>, vector<16xi32>], vector<16xf32>,
      %mul3A_275 = arith.mulf %gather3A_140, %gather3A_274 : vector<16xf32>
      %add3A_276 = arith.addf %mul3A_269, %mul3A_275 : vector<16xf32>
      %broadcast_in_dim3A_277 = arith.constant 4 : i32
      %broadcast_in_dim3A_278 = vector.broadcast %broadcast_in_dim3A_277 : i32 to vector<16xi32>
      %broadcast_in_dim3A_279 = arith.constant 1 : i32
      %broadcast_in_dim3A_280 = vector.broadcast %broadcast_in_dim3A_279 : i32 to vector<16xi32>
      %gather3A_281 = tpu.vector_load_idx %arg21[%broadcast_in_dim3A_278, %broadcast_in_dim3A_280] : memref<8x4xf32, #tpu.memory_space<vmem>>[vector<16xi32>, vector<16xi32>], vector<16xf32>,
      %mul3A_282 = arith.mulf %gather3A_143, %gather3A_281 : vector<16xf32>
      %add3A_283 = arith.addf %add3A_276, %mul3A_282 : vector<16xf32>
      %broadcast_in_dim3A_284 = arith.constant 9 : i32
      %broadcast_in_dim3A_285 = vector.broadcast %broadcast_in_dim3A_284 : i32 to vector<16xi32>
      %gather3A_286 = tpu.vector_load_idx %arg22[%broadcast_in_dim3A_285] : memref<12xf32, #tpu.memory_space<vmem>>[vector<16xi32>], vector<16xf32>,
      %add3A_287 = arith.addf %add3A_283, %gather3A_286 : vector<16xf32>
      %broadcast_in_dim3A_288 = arith.constant 9 : i32
      %broadcast_in_dim3A_289 = vector.broadcast %broadcast_in_dim3A_288 : i32 to vector<16xi32>
      tpu.vector_store_idx %arg25[%iota3A, %broadcast_in_dim3A_289], %add3A_287 : memref<16x16xf32, #tpu.memory_space<vmem>>[vector<16xi32>, vector<16xi32>], vector<16xf32>,
      %broadcast_in_dim3A_290 = arith.constant 2 : i32
      %broadcast_in_dim3A_291 = vector.broadcast %broadcast_in_dim3A_290 : i32 to vector<16xi32>
      %broadcast_in_dim3A_292 = arith.constant 2 : i32
      %broadcast_in_dim3A_293 = vector.broadcast %broadcast_in_dim3A_292 : i32 to vector<16xi32>
      %gather3A_294 = tpu.vector_load_idx %arg21[%broadcast_in_dim3A_291, %broadcast_in_dim3A_293] : memref<8x4xf32, #tpu.memory_space<vmem>>[vector<16xi32>, vector<16xi32>], vector<16xf32>,
      %mul3A_295 = arith.mulf %gather3A_137, %gather3A_294 : vector<16xf32>
      %broadcast_in_dim3A_296 = arith.constant 3 : i32
      %broadcast_in_dim3A_297 = vector.broadcast %broadcast_in_dim3A_296 : i32 to vector<16xi32>
      %broadcast_in_dim3A_298 = arith.constant 2 : i32
      %broadcast_in_dim3A_299 = vector.broadcast %broadcast_in_dim3A_298 : i32 to vector<16xi32>
      %gather3A_300 = tpu.vector_load_idx %arg21[%broadcast_in_dim3A_297, %broadcast_in_dim3A_299] : memref<8x4xf32, #tpu.memory_space<vmem>>[vector<16xi32>, vector<16xi32>], vector<16xf32>,
      %mul3A_301 = arith.mulf %gather3A_140, %gather3A_300 : vector<16xf32>
      %add3A_302 = arith.addf %mul3A_295, %mul3A_301 : vector<16xf32>
      %broadcast_in_dim3A_303 = arith.constant 4 : i32
      %broadcast_in_dim3A_304 = vector.broadcast %broadcast_in_dim3A_303 : i32 to vector<16xi32>
      %broadcast_in_dim3A_305 = arith.constant 2 : i32
      %broadcast_in_dim3A_306 = vector.broadcast %broadcast_in_dim3A_305 : i32 to vector<16xi32>
      %gather3A_307 = tpu.vector_load_idx %arg21[%broadcast_in_dim3A_304, %broadcast_in_dim3A_306] : memref<8x4xf32, #tpu.memory_space<vmem>>[vector<16xi32>, vector<16xi32>], vector<16xf32>,
      %mul3A_308 = arith.mulf %gather3A_143, %gather3A_307 : vector<16xf32>
      %add3A_309 = arith.addf %add3A_302, %mul3A_308 : vector<16xf32>
      %broadcast_in_dim3A_310 = arith.constant 10 : i32
      %broadcast_in_dim3A_311 = vector.broadcast %broadcast_in_dim3A_310 : i32 to vector<16xi32>
      %gather3A_312 = tpu.vector_load_idx %arg22[%broadcast_in_dim3A_311] : memref<12xf32, #tpu.memory_space<vmem>>[vector<16xi32>], vector<16xf32>,
      %add3A_313 = arith.addf %add3A_309, %gather3A_312 : vector<16xf32>
      %broadcast_in_dim3A_314 = arith.constant 10 : i32
      %broadcast_in_dim3A_315 = vector.broadcast %broadcast_in_dim3A_314 : i32 to vector<16xi32>
      tpu.vector_store_idx %arg25[%iota3A, %broadcast_in_dim3A_315], %add3A_313 : memref<16x16xf32, #tpu.memory_space<vmem>>[vector<16xi32>, vector<16xi32>], vector<16xf32>,
      %broadcast_in_dim3A_316 = arith.constant 2 : i32
      %broadcast_in_dim3A_317 = vector.broadcast %broadcast_in_dim3A_316 : i32 to vector<16xi32>
      %broadcast_in_dim3A_318 = arith.constant 3 : i32
      %broadcast_in_dim3A_319 = vector.broadcast %broadcast_in_dim3A_318 : i32 to vector<16xi32>
      %gather3A_320 = tpu.vector_load_idx %arg21[%broadcast_in_dim3A_317, %broadcast_in_dim3A_319] : memref<8x4xf32, #tpu.memory_space<vmem>>[vector<16xi32>, vector<16xi32>], vector<16xf32>,
      %mul3A_321 = arith.mulf %gather3A_137, %gather3A_320 : vector<16xf32>
      %broadcast_in_dim3A_322 = arith.constant 3 : i32
      %broadcast_in_dim3A_323 = vector.broadcast %broadcast_in_dim3A_322 : i32 to vector<16xi32>
      %broadcast_in_dim3A_324 = arith.constant 3 : i32
      %broadcast_in_dim3A_325 = vector.broadcast %broadcast_in_dim3A_324 : i32 to vector<16xi32>
      %gather3A_326 = tpu.vector_load_idx %arg21[%broadcast_in_dim3A_323, %broadcast_in_dim3A_325] : memref<8x4xf32, #tpu.memory_space<vmem>>[vector<16xi32>, vector<16xi32>], vector<16xf32>,
      %mul3A_327 = arith.mulf %gather3A_140, %gather3A_326 : vector<16xf32>
      %add3A_328 = arith.addf %mul3A_321, %mul3A_327 : vector<16xf32>
      %broadcast_in_dim3A_329 = arith.constant 4 : i32
      %broadcast_in_dim3A_330 = vector.broadcast %broadcast_in_dim3A_329 : i32 to vector<16xi32>
      %broadcast_in_dim3A_331 = arith.constant 3 : i32
      %broadcast_in_dim3A_332 = vector.broadcast %broadcast_in_dim3A_331 : i32 to vector<16xi32>
      %gather3A_333 = tpu.vector_load_idx %arg21[%broadcast_in_dim3A_330, %broadcast_in_dim3A_332] : memref<8x4xf32, #tpu.memory_space<vmem>>[vector<16xi32>, vector<16xi32>], vector<16xf32>,
      %mul3A_334 = arith.mulf %gather3A_143, %gather3A_333 : vector<16xf32>
      %add3A_335 = arith.addf %add3A_328, %mul3A_334 : vector<16xf32>
      %broadcast_in_dim3A_336 = arith.constant 11 : i32
      %broadcast_in_dim3A_337 = vector.broadcast %broadcast_in_dim3A_336 : i32 to vector<16xi32>
      %gather3A_338 = tpu.vector_load_idx %arg22[%broadcast_in_dim3A_337] : memref<12xf32, #tpu.memory_space<vmem>>[vector<16xi32>], vector<16xf32>,
      %add3A_339 = arith.addf %add3A_335, %gather3A_338 : vector<16xf32>
      %broadcast_in_dim3A_340 = arith.constant 11 : i32
      %broadcast_in_dim3A_341 = vector.broadcast %broadcast_in_dim3A_340 : i32 to vector<16xi32>
      tpu.vector_store_idx %arg25[%iota3A, %broadcast_in_dim3A_341], %add3A_339 : memref<16x16xf32, #tpu.memory_space<vmem>>[vector<16xi32>, vector<16xi32>], vector<16xf32>,
      %broadcast_in_dim3A_342 = arith.constant 2 : i32
      %broadcast_in_dim3A_343 = vector.broadcast %broadcast_in_dim3A_342 : i32 to vector<16xi32>
      %broadcast_in_dim3A_344 = arith.constant 0 : i32
      %broadcast_in_dim3A_345 = vector.broadcast %broadcast_in_dim3A_344 : i32 to vector<16xi32>
      %gather3A_346 = tpu.vector_load_idx %arg19[%broadcast_in_dim3A_343, %broadcast_in_dim3A_345] : memref<8x4xf32, #tpu.memory_space<vmem>>[vector<16xi32>, vector<16xi32>], vector<16xf32>,
      %mul3A_347 = arith.mulf %gather3A, %gather3A_346 : vector<16xf32>
      %broadcast_in_dim3A_348 = arith.constant 3 : i32
      %broadcast_in_dim3A_349 = vector.broadcast %broadcast_in_dim3A_348 : i32 to vector<16xi32>
      %broadcast_in_dim3A_350 = arith.constant 0 : i32
      %broadcast_in_dim3A_351 = vector.broadcast %broadcast_in_dim3A_350 : i32 to vector<16xi32>
      %gather3A_352 = tpu.vector_load_idx %arg19[%broadcast_in_dim3A_349, %broadcast_in_dim3A_351] : memref<8x4xf32, #tpu.memory_space<vmem>>[vector<16xi32>, vector<16xi32>], vector<16xf32>,
      %mul3A_353 = arith.mulf %gather3A_131, %gather3A_352 : vector<16xf32>
      %add3A_354 = arith.addf %mul3A_347, %mul3A_353 : vector<16xf32>
      %broadcast_in_dim3A_355 = arith.constant 4 : i32
      %broadcast_in_dim3A_356 = vector.broadcast %broadcast_in_dim3A_355 : i32 to vector<16xi32>
      %broadcast_in_dim3A_357 = arith.constant 0 : i32
      %broadcast_in_dim3A_358 = vector.broadcast %broadcast_in_dim3A_357 : i32 to vector<16xi32>
      %gather3A_359 = tpu.vector_load_idx %arg19[%broadcast_in_dim3A_356, %broadcast_in_dim3A_358] : memref<8x4xf32, #tpu.memory_space<vmem>>[vector<16xi32>, vector<16xi32>], vector<16xf32>,
      %mul3A_360 = arith.mulf %gather3A_134, %gather3A_359 : vector<16xf32>
      %add3A_361 = arith.addf %add3A_354, %mul3A_360 : vector<16xf32>
      %broadcast_in_dim3A_362 = arith.constant 8 : i32
      %broadcast_in_dim3A_363 = vector.broadcast %broadcast_in_dim3A_362 : i32 to vector<16xi32>
      %gather3A_364 = tpu.vector_load_idx %arg20[%broadcast_in_dim3A_363] : memref<12xf32, #tpu.memory_space<vmem>>[vector<16xi32>], vector<16xf32>,
      %add3A_365 = arith.addf %add3A_361, %gather3A_364 : vector<16xf32>
      %broadcast_in_dim3A_366 = arith.constant 12 : i32
      %broadcast_in_dim3A_367 = vector.broadcast %broadcast_in_dim3A_366 : i32 to vector<16xi32>
      tpu.vector_store_idx %arg25[%iota3A, %broadcast_in_dim3A_367], %add3A_365 : memref<16x16xf32, #tpu.memory_space<vmem>>[vector<16xi32>, vector<16xi32>], vector<16xf32>,
      %broadcast_in_dim3A_368 = arith.constant 2 : i32
      %broadcast_in_dim3A_369 = vector.broadcast %broadcast_in_dim3A_368 : i32 to vector<16xi32>
      %broadcast_in_dim3A_370 = arith.constant 1 : i32
      %broadcast_in_dim3A_371 = vector.broadcast %broadcast_in_dim3A_370 : i32 to vector<16xi32>
      %gather3A_372 = tpu.vector_load_idx %arg19[%broadcast_in_dim3A_369, %broadcast_in_dim3A_371] : memref<8x4xf32, #tpu.memory_space<vmem>>[vector<16xi32>, vector<16xi32>], vector<16xf32>,
      %mul3A_373 = arith.mulf %gather3A, %gather3A_372 : vector<16xf32>
      %broadcast_in_dim3A_374 = arith.constant 3 : i32
      %broadcast_in_dim3A_375 = vector.broadcast %broadcast_in_dim3A_374 : i32 to vector<16xi32>
      %broadcast_in_dim3A_376 = arith.constant 1 : i32
      %broadcast_in_dim3A_377 = vector.broadcast %broadcast_in_dim3A_376 : i32 to vector<16xi32>
      %gather3A_378 = tpu.vector_load_idx %arg19[%broadcast_in_dim3A_375, %broadcast_in_dim3A_377] : memref<8x4xf32, #tpu.memory_space<vmem>>[vector<16xi32>, vector<16xi32>], vector<16xf32>,
      %mul3A_379 = arith.mulf %gather3A_131, %gather3A_378 : vector<16xf32>
      %add3A_380 = arith.addf %mul3A_373, %mul3A_379 : vector<16xf32>
      %broadcast_in_dim3A_381 = arith.constant 4 : i32
      %broadcast_in_dim3A_382 = vector.broadcast %broadcast_in_dim3A_381 : i32 to vector<16xi32>
      %broadcast_in_dim3A_383 = arith.constant 1 : i32
      %broadcast_in_dim3A_384 = vector.broadcast %broadcast_in_dim3A_383 : i32 to vector<16xi32>
      %gather3A_385 = tpu.vector_load_idx %arg19[%broadcast_in_dim3A_382, %broadcast_in_dim3A_384] : memref<8x4xf32, #tpu.memory_space<vmem>>[vector<16xi32>, vector<16xi32>], vector<16xf32>,
      %mul3A_386 = arith.mulf %gather3A_134, %gather3A_385 : vector<16xf32>
      %add3A_387 = arith.addf %add3A_380, %mul3A_386 : vector<16xf32>
      %broadcast_in_dim3A_388 = arith.constant 9 : i32
      %broadcast_in_dim3A_389 = vector.broadcast %broadcast_in_dim3A_388 : i32 to vector<16xi32>
      %gather3A_390 = tpu.vector_load_idx %arg20[%broadcast_in_dim3A_389] : memref<12xf32, #tpu.memory_space<vmem>>[vector<16xi32>], vector<16xf32>,
      %add3A_391 = arith.addf %add3A_387, %gather3A_390 : vector<16xf32>
      %broadcast_in_dim3A_392 = arith.constant 13 : i32
      %broadcast_in_dim3A_393 = vector.broadcast %broadcast_in_dim3A_392 : i32 to vector<16xi32>
      tpu.vector_store_idx %arg25[%iota3A, %broadcast_in_dim3A_393], %add3A_391 : memref<16x16xf32, #tpu.memory_space<vmem>>[vector<16xi32>, vector<16xi32>], vector<16xf32>,
      %broadcast_in_dim3A_394 = arith.constant 2 : i32
      %broadcast_in_dim3A_395 = vector.broadcast %broadcast_in_dim3A_394 : i32 to vector<16xi32>
      %broadcast_in_dim3A_396 = arith.constant 2 : i32
      %broadcast_in_dim3A_397 = vector.broadcast %broadcast_in_dim3A_396 : i32 to vector<16xi32>
      %gather3A_398 = tpu.vector_load_idx %arg19[%broadcast_in_dim3A_395, %broadcast_in_dim3A_397] : memref<8x4xf32, #tpu.memory_space<vmem>>[vector<16xi32>, vector<16xi32>], vector<16xf32>,
      %mul3A_399 = arith.mulf %gather3A, %gather3A_398 : vector<16xf32>
      %broadcast_in_dim3A_400 = arith.constant 3 : i32
      %broadcast_in_dim3A_401 = vector.broadcast %broadcast_in_dim3A_400 : i32 to vector<16xi32>
      %broadcast_in_dim3A_402 = arith.constant 2 : i32
      %broadcast_in_dim3A_403 = vector.broadcast %broadcast_in_dim3A_402 : i32 to vector<16xi32>
      %gather3A_404 = tpu.vector_load_idx %arg19[%broadcast_in_dim3A_401, %broadcast_in_dim3A_403] : memref<8x4xf32, #tpu.memory_space<vmem>>[vector<16xi32>, vector<16xi32>], vector<16xf32>,
      %mul3A_405 = arith.mulf %gather3A_131, %gather3A_404 : vector<16xf32>
      %add3A_406 = arith.addf %mul3A_399, %mul3A_405 : vector<16xf32>
      %broadcast_in_dim3A_407 = arith.constant 4 : i32
      %broadcast_in_dim3A_408 = vector.broadcast %broadcast_in_dim3A_407 : i32 to vector<16xi32>
      %broadcast_in_dim3A_409 = arith.constant 2 : i32
      %broadcast_in_dim3A_410 = vector.broadcast %broadcast_in_dim3A_409 : i32 to vector<16xi32>
      %gather3A_411 = tpu.vector_load_idx %arg19[%broadcast_in_dim3A_408, %broadcast_in_dim3A_410] : memref<8x4xf32, #tpu.memory_space<vmem>>[vector<16xi32>, vector<16xi32>], vector<16xf32>,
      %mul3A_412 = arith.mulf %gather3A_134, %gather3A_411 : vector<16xf32>
      %add3A_413 = arith.addf %add3A_406, %mul3A_412 : vector<16xf32>
      %broadcast_in_dim3A_414 = arith.constant 10 : i32
      %broadcast_in_dim3A_415 = vector.broadcast %broadcast_in_dim3A_414 : i32 to vector<16xi32>
      %gather3A_416 = tpu.vector_load_idx %arg20[%broadcast_in_dim3A_415] : memref<12xf32, #tpu.memory_space<vmem>>[vector<16xi32>], vector<16xf32>,
      %add3A_417 = arith.addf %add3A_413, %gather3A_416 : vector<16xf32>
      %broadcast_in_dim3A_418 = arith.constant 14 : i32
      %broadcast_in_dim3A_419 = vector.broadcast %broadcast_in_dim3A_418 : i32 to vector<16xi32>
      tpu.vector_store_idx %arg25[%iota3A, %broadcast_in_dim3A_419], %add3A_417 : memref<16x16xf32, #tpu.memory_space<vmem>>[vector<16xi32>, vector<16xi32>], vector<16xf32>,
      %broadcast_in_dim3A_420 = arith.constant 2 : i32
      %broadcast_in_dim3A_421 = vector.broadcast %broadcast_in_dim3A_420 : i32 to vector<16xi32>
      %broadcast_in_dim3A_422 = arith.constant 3 : i32
      %broadcast_in_dim3A_423 = vector.broadcast %broadcast_in_dim3A_422 : i32 to vector<16xi32>
      %gather3A_424 = tpu.vector_load_idx %arg19[%broadcast_in_dim3A_421, %broadcast_in_dim3A_423] : memref<8x4xf32, #tpu.memory_space<vmem>>[vector<16xi32>, vector<16xi32>], vector<16xf32>,
      %mul3A_425 = arith.mulf %gather3A, %gather3A_424 : vector<16xf32>
      %broadcast_in_dim3A_426 = arith.constant 3 : i32
      %broadcast_in_dim3A_427 = vector.broadcast %broadcast_in_dim3A_426 : i32 to vector<16xi32>
      %broadcast_in_dim3A_428 = arith.constant 3 : i32
      %broadcast_in_dim3A_429 = vector.broadcast %broadcast_in_dim3A_428 : i32 to vector<16xi32>
      %gather3A_430 = tpu.vector_load_idx %arg19[%broadcast_in_dim3A_427, %broadcast_in_dim3A_429] : memref<8x4xf32, #tpu.memory_space<vmem>>[vector<16xi32>, vector<16xi32>], vector<16xf32>,
      %mul3A_431 = arith.mulf %gather3A_131, %gather3A_430 : vector<16xf32>
      %add3A_432 = arith.addf %mul3A_425, %mul3A_431 : vector<16xf32>
      %broadcast_in_dim3A_433 = arith.constant 4 : i32
      %broadcast_in_dim3A_434 = vector.broadcast %broadcast_in_dim3A_433 : i32 to vector<16xi32>
      %broadcast_in_dim3A_435 = arith.constant 3 : i32
      %broadcast_in_dim3A_436 = vector.broadcast %broadcast_in_dim3A_435 : i32 to vector<16xi32>
      %gather3A_437 = tpu.vector_load_idx %arg19[%broadcast_in_dim3A_434, %broadcast_in_dim3A_436] : memref<8x4xf32, #tpu.memory_space<vmem>>[vector<16xi32>, vector<16xi32>], vector<16xf32>,
      %mul3A_438 = arith.mulf %gather3A_134, %gather3A_437 : vector<16xf32>
      %add3A_439 = arith.addf %add3A_432, %mul3A_438 : vector<16xf32>
      %broadcast_in_dim3A_440 = arith.constant 11 : i32
      %broadcast_in_dim3A_441 = vector.broadcast %broadcast_in_dim3A_440 : i32 to vector<16xi32>
      %gather3A_442 = tpu.vector_load_idx %arg20[%broadcast_in_dim3A_441] : memref<12xf32, #tpu.memory_space<vmem>>[vector<16xi32>], vector<16xf32>,
      %add3A_443 = arith.addf %add3A_439, %gather3A_442 : vector<16xf32>
      %broadcast_in_dim3A_444 = arith.constant 15 : i32
      %broadcast_in_dim3A_445 = vector.broadcast %broadcast_in_dim3A_444 : i32 to vector<16xi32>
      tpu.vector_store_idx %arg25[%iota3A, %broadcast_in_dim3A_445], %add3A_443 : memref<16x16xf32, #tpu.memory_space<vmem>>[vector<16xi32>, vector<16xi32>], vector<16xf32>,
      "tpu.region"() ({
        %run_scoped3A = tpu.sem_alloc : memref<!tpu.dma_semaphore, #tpu.memory_space<semaphore_mem>>
        %dma_start3A_446 = arith.constant 0 : i32
        %dma_start3A_447 = arith.constant 0 : i32
        %dma_start3A_448 = tpu.memref_slice %arg25[%dma_start3A_446, %dma_start3A_447] : memref<16x16xf32, #tpu.memory_space<vmem>> -> memref<1x16xf32, #tpu.memory_space<vmem>>
        %dma_start3A_449 = arith.constant 96 : i32
        %dma_start3A_450 = arith.constant 0 : i32
        %dma_start3A_451 = tpu.memref_slice %arg13[%dma_start3A_449, %dma_start3A_450] : memref<97x16xf32, #tpu.memory_space<hbm>> -> memref<1x16xf32, #tpu.memory_space<hbm>>
        %dma_start3A_452 = arith.constant 96 : i32
        %dma_start3A_453 = arith.constant 0 : i32
        %dma_start3A_454 = tpu.memref_slice %arg13[%dma_start3A_452, %dma_start3A_453] : memref<97x16xf32, #tpu.memory_space<hbm>> -> memref<1x16xf32, #tpu.memory_space<hbm>>
        %dma_start3A_455 = arith.constant 0 : i32
        %dma_start3A_456 = arith.constant 0 : i32
        %dma_start3A_457 = tpu.memref_slice %arg25[%dma_start3A_455, %dma_start3A_456] : memref<16x16xf32, #tpu.memory_space<vmem>> -> memref<1x16xf32, #tpu.memory_space<vmem>>
        tpu.enqueue_dma source(%dma_start3A_457 : memref<1x16xf32, #tpu.memory_space<vmem>>) target(%dma_start3A_454 : memref<1x16xf32, #tpu.memory_space<hbm>>) target_semaphore(%run_scoped3A : memref<!tpu.dma_semaphore, #tpu.memory_space<semaphore_mem>>)
        %dma_wait3A_458 = arith.constant 0 : i32
        %dma_wait3A_459 = arith.constant 0 : i32
        %dma_wait3A_460 = tpu.memref_slice %arg25[%dma_wait3A_458, %dma_wait3A_459] : memref<16x16xf32, #tpu.memory_space<vmem>> -> memref<1x16xf32, #tpu.memory_space<vmem>>
        %dma_wait3A_461 = arith.constant 96 : i32
        %dma_wait3A_462 = arith.constant 0 : i32
        %dma_wait3A_463 = tpu.memref_slice %arg13[%dma_wait3A_461, %dma_wait3A_462] : memref<97x16xf32, #tpu.memory_space<hbm>> -> memref<1x16xf32, #tpu.memory_space<hbm>>
        %dma_wait3A_464 = arith.constant 96 : i32
        %dma_wait3A_465 = arith.constant 0 : i32
        %dma_wait3A_466 = tpu.memref_slice %arg13[%dma_wait3A_464, %dma_wait3A_465] : memref<97x16xf32, #tpu.memory_space<hbm>> -> memref<1x16xf32, #tpu.memory_space<hbm>>
        %dma_wait3A_467 = arith.constant 0 : i32
        %dma_wait3A_468 = arith.constant 0 : i32
        %dma_wait3A_469 = tpu.memref_slice %arg25[%dma_wait3A_467, %dma_wait3A_468] : memref<16x16xf32, #tpu.memory_space<vmem>> -> memref<1x16xf32, #tpu.memory_space<vmem>>
        tpu.wait_dma2 semaphore(%run_scoped3A : memref<!tpu.dma_semaphore, #tpu.memory_space<semaphore_mem>>) src(%dma_wait3A_469 : memref<1x16xf32, #tpu.memory_space<vmem>>) dst(%dma_wait3A_466 : memref<1x16xf32, #tpu.memory_space<hbm>>)
        tpu.yield
      }) : () -> ()
    } else {
    }
    return
  }
}

</mosaic_0001>

<sc_bundles>
// kernel: _run.3.cloned.1.call-start
scs
__scs_entry_jumppad:
0x0: {  	(pc) =	sbr.rel $0x88, $3  }
0x1: {  	(tag) =	ssettag $0x0;
	lr =	simm.s32 $0x1  }
0x2: {  	[smem:$0x3F96] =	sst lr;
	_ =	strace $0xD0000000  }
0x3: {  	_ = 	snop  }
0x4: {  	_ = 	snop  }
0x5: {  	_ = 	snop  }
0x6: {  	_ = 	snop  }
0x7: {  	_ = 	snop  }
__scs_overlays_trampoline_lowered:
0x8: {  	[smem:$0x3FA5] =	sst s0  }
0x9: {  	[smem:$0x3FA6] =	sst s1  }
0xa: {  	[smem:$0x3FA7] =	sst s2  }
0xb: {  	[smem:$0x3FA8] =	sst s3  }
0xc: {  	[smem:$0x3FA9] =	sst s4  }
0xd: {  	[smem:$0x3FAA] =	sst s5  }
0xe: {  	[smem:$0x3FAB] =	sst s6  }
0xf: {  	[smem:$0x3FAC] =	sst s7  }
0x10: {  	[smem:$0x3FAD] =	sst s8  }
0x11: {  	[smem:$0x3FAE] =	sst s9;
	s0 =	simm.s32 @!p0 $0x0  }
0x12: {  	s1 =	sld [smem:$0x3F94];
	s0 =	simm.s32 @p0 $0x1  }
0x13: {  	[smem:$0x3FAF] =	sst s0;
	s0 =	simm.s32 @!p1 $0x0  }
0x14: {  	s2 =	sld [smem:$0x3F93];
	s0 =	simm.s32 @p1 $0x1  }
0x15: {  	[smem:$0x3FB0] =	sst s0;
	s0 =	simm.s32 @!p2 $0x0  }
0x16: {  	s3 =	sld [smem:$0x3FDB];
	s0 =	simm.s32 @p2 $0x1  }
0x17: {  	s4 =	simm.s32 $0x1BF5;
	[smem:$0x3FB2] =	sst s0  }
0x18: {  	s0 =	sld [smem:$0x3F95];
	_ =	swait.ge [sflag:s4], $0x0  }
0x19: {  	s7 =	sld [smem:$0x3F96]  }
0x1a: {  	s8 =	sadd.s32 $0xFFFFE003, lr  }
0x1b: {  	s9 =	sadd.s32 $0xFFFFFEF7, lr;
	s5 =	simm.s32 $0xFFFFFFFF;
	p2 =	slt.u32 s8, $0xFFFFF086  }
0x1c: {  	p1 =	slt.u32 s9, $0xF7A;
	s5 =	simm.s32 @!p2 $0x0  }
0x1d: {  	s5 =	simm.s32 @p1 $0x1;
	p0 =	seq.s32 s7, s2  }
0x1e: {  	s7 =	smul.u32 @!p0 $0xF7A, s2;
	p2 =	seq.s32 @!p0 s5, $0x0  }
0x1f: {  	s9 =	smul.u32 $0xF7A, s1;
	s8 =	simm.s32 @!p0 $0x1BF5;
	p2 =	por !p2, p0  }
0x20: {  	[sflag:s8] =	ssyncset.s32 @!p0 $0xFFFFF086;
	s6 =	sadd.s32 @!p0 s3, s7;
	s7 =	simm.s32 @!p0 $0x108  }
0x21: {  	s3 =	sadd.s32 s3, s9;
	s6 =	sadd.s32 @!p0 $0x88, s6;
	s7 =	simm.s32 @p2 $0x1082  }
0x22: {  	[simem:s7], [sflag:s8] =	dma.local @!p0 [hbm:s6], $0xF7A  }
0x23: {  	s9 =	sor.u32 $0xD0000000, s2;
	s6 =	simm.s32 $0x108;
	_ =	swait.ge @!p0 [sflag:s8], $0x0  }
0x24: {  	s3 =	sadd.s32 $0x88, s3;
	s6 =	simm.s32 @!p1 $0x1082;
	[sflag:s4] =	ssyncset.s32 $0xFFFFF086  }
0x25: {  	[simem:s6], [sflag:s4] =	dma.local [hbm:s3], $0xF7A  }
0x26: {  	[smem:$0x3F96] =	sst s1;
	(tag) =	ssettag s2;
	_ =	strace s9  }
0x27: {  	s1 =	sld [smem:$0x3FA6]  }
0x28: {  	s2 =	sld [smem:$0x3FA7]  }
0x29: {  	s4 =	sld [smem:$0x3FA9]  }
0x2a: {  	p0 =	seq.s32 s5, $0x0;
	s5 =	sld [smem:$0x3FAA]  }
0x2b: {  	s6 =	sld [smem:$0x3FAB]  }
0x2c: {  	s7 =	sld [smem:$0x3FAC]  }
0x2d: {  	s3 =	simm.s32 $0x108;
	s8 =	sld [smem:$0x3FAD]  }
0x2e: {  	s3 =	simm.s32 @!p0 $0x1082;
	s9 =	sld [smem:$0x3FAE]  }
0x2f: {  	lr =	sadd.s32 s0, s3;
	s0 =	sld [smem:$0x3FA5]  }
0x30: {  	s3 =	sld [smem:$0x3FA8]  }
0x31: {  	[smem:$0x3FB1] =	sst s10  }
0x32: {  	s10 =	sld [smem:$0x3FAF];
	_ =	sdelay $0x3  }
0x33: {  	p0 =	seq.s32 s10, $0x1;
	s10 =	sld [smem:$0x3FB1];
	_ =	sdelay $0x3  }
0x34: {  	[smem:$0x3FB1] =	sst s10  }
0x35: {  	s10 =	sld [smem:$0x3FB0];
	_ =	sdelay $0x3  }
0x36: {  	p1 =	seq.s32 s10, $0x1;
	s10 =	sld [smem:$0x3FB1];
	_ =	sdelay $0x3  }
0x37: {  	[smem:$0x3FB1] =	sst s10  }
0x38: {  	s10 =	sld [smem:$0x3FB2]  }
0x39: {  	_ = 	snop;
	(pc) =	sbr.ind lr, $3  }
0x3a: {  	_ = 	snop  }
0x3b: {  	_ = 	snop  }
0x3c: {  	p2 =	seq.s32 s10, $0x1;
	s10 =	sld [smem:$0x3FB1]  }
0x3d: {  	_ =	shalt  }
0x3e: {  	_ =	shalt  }
0x3f: {  	_ =	shalt  }
0x40: {  	_ =	shalt  }
0x41: {  	_ =	shalt  }
0x42: {  	_ =	shalt  }
0x43: {  	_ =	shalt  }
0x44: {  	_ =	shalt  }
0x45: {  	_ =	shalt  }
0x46: {  	_ =	shalt  }
0x47: {  	_ =	shalt  }
0x48: {  	_ =	shalt  }
0x49: {  	_ =	shalt  }
0x4a: {  	_ =	shalt  }
0x4b: {  	_ =	shalt  }
0x4c: {  	_ =	shalt  }
0x4d: {  	_ =	shalt  }
0x4e: {  	_ =	shalt  }
0x4f: {  	_ =	shalt  }
0x50: {  	_ =	shalt  }
0x51: {  	_ =	shalt  }
0x52: {  	_ =	shalt  }
0x53: {  	_ =	shalt  }
0x54: {  	_ =	shalt  }
0x55: {  	_ =	shalt  }
0x56: {  	_ =	shalt  }
0x57: {  	_ =	shalt  }
0x58: {  	_ =	shalt  }
0x59: {  	_ =	shalt  }
0x5a: {  	_ =	shalt  }
0x5b: {  	_ =	shalt  }
0x5c: {  	_ =	shalt  }
0x5d: {  	_ =	shalt  }
0x5e: {  	_ =	shalt  }
0x5f: {  	_ =	shalt  }
0x60: {  	_ =	shalt  }
0x61: {  	_ =	shalt  }
0x62: {  	_ =	shalt  }
0x63: {  	_ =	shalt  }
0x64: {  	_ =	shalt  }
0x65: {  	_ =	shalt  }
0x66: {  	_ =	shalt  }
0x67: {  	_ =	shalt  }
0x68: {  	_ =	shalt  }
0x69: {  	_ =	shalt  }
0x6a: {  	_ =	shalt  }
0x6b: {  	_ =	shalt  }
0x6c: {  	_ =	shalt  }
0x6d: {  	_ =	shalt  }
0x6e: {  	_ =	shalt  }
0x6f: {  	_ =	shalt  }
0x70: {  	_ =	shalt  }
0x71: {  	_ =	shalt  }
0x72: {  	_ =	shalt  }
0x73: {  	_ =	shalt  }
0x74: {  	_ =	shalt  }
0x75: {  	_ =	shalt  }
0x76: {  	_ =	shalt  }
0x77: {  	_ =	shalt  }
0x78: {  	_ =	shalt  }
0x79: {  	_ =	shalt  }
0x7a: {  	_ =	shalt  }
0x7b: {  	_ =	shalt  }
0x7c: {  	_ =	shalt  }
0x7d: {  	_ =	shalt  }
0x7e: {  	_ =	shalt  }
0x7f: {  	_ =	shalt  }
0x80: {  	_ =	shalt  }
0x81: {  	_ =	shalt  }
0x82: {  	_ =	shalt  }
0x83: {  	_ =	shalt  }
0x84: {  	_ =	shalt  }
0x85: {  	_ =	shalt  }
0x86: {  	_ =	shalt  }
0x87: {  	_ =	shalt  }
.Lfunc_end0:
.L_simem_size_0:
called_computation_lowered:
.L_overlay_start_0:
0x88: {  	s0 =	sld [smem:$0x3FD9]  }
0x89: {  	s1 =	sld [smem:$0x3FFE];
	_ =	sdelay $0x3  }
0x8a: {  	s0 =	sadd.s32 s1, s0  }
0x8b: {  	[smem:$0x3FBD] =	sst s0  }
0x8c: {  	_ = 	snop  }
0x8d: {  	s0 =	sld [smem:$0x3FC9]  }
0x8e: {  	s16 =	sld [smem:$0x3FC8]  }
0x8f: {  	s2 =	sld [smem:$0x3FC7]  }
0x90: {  	s3 =	sld [smem:$0x3FC4]  }
0x91: {  	s4 =	sld [smem:$0x3FC3]  }
0x92: {  	s5 =	sld [smem:$0x3FC2]  }
0x93: {  	s6 =	sld [smem:$0x3FC1]  }
0x94: {  	s7 =	sld [smem:$0x3FC0]  }
0x95: {  	s8 =	sld [smem:$0x3FBF]  }
0x96: {  	s9 =	sld [smem:$0x3FD0];
	(tm) =	ssettm $0x1  }
0x97: {  	s10 =	sld [smem:$0x3FFB];
	_ =	sdelay $0x3  }
0x98: {  	_ =	strace s10  }
0x99: {  	s10 =	sld [smem:$0x3FFC];
	_ =	sdelay $0x3  }
0x9a: {  	_ =	strace s10  }
0x9b: {  	s10 =	sld [smem:$0x3FFD];
	_ =	sdelay $0x3  }
0x9c: {  	_ =	strace s10  }
0x9d: {  	_ =	strace $0x8FFFFFFF  }
0x9e: {  	s17 =	sld [smem:$0x3FDB];
	_ =	sdelay $0x1  }
0x9f: {  	s11 =	simm.s32 $_scs_section_size  }
0xa0: {  	s12 =	simm.s32 $_size__tile_overlayer_lowered;
	s13 =	simm.s32 $_tile_overlayer_lowered  }
0xa1: {  	s20 =	simm.s32 $0x1BFF;
	s19 =	sshll.u32 s13, $0x1;
	s10 =	sadd.s32 s11, s17  }
0xa2: {  	s14 =	simm.s32 $0x0;
	s18 =	sshll.u32 s12, $0x1;
	s12 =	sadd.s32 s19, s10  }
0xa3: {  	[timem:s14], [sflag:s20] =	dma.local [hbm:s12], s18  }
0xa4: {  	_ =	swait.ge [sflag:s20], s18  }
0xa5: {  	s11 =	ssub.s32 $0x0, s18;
	[sflag:s20] =	ssyncset.done $0x0  }
0xa6: {  	[sflag:s20] =	ssyncadd.s32 s11;
	_ =	sdelay $0x1  }
0xa7: {  	s21 =	simm.s32 $0x1B8B  }
0xa8: {  	_ =	swait.ge [sflag:s21], $0x1  }
0xa9: {  	[sflag:s21] =	ssyncset.done $0x0  }
0xaa: {  	s23 =	simm.s32 $0x1B8E;
	s22 =	sld [smem:$0x3FFE];
	[sflag:s21] =	ssyncadd.s32 $0xFFFFFFFF  }
0xab: {  	s24 =	simm.s32 $execute0_lowered;
	[smem:$0x3FD2] =	sst s23  }
0xac: {  	s12 =	sshll.u32 s24, $0x1;
	_ =	strace $0x80000046;
	[dreg:$0x1] =	wrdreg $0xFFFFFFFF  }
0xad: {  	s25 =	simm.s32 $_size_execute0_lowered;
	s10 =	sadd.s32 s10, s12;
	[dreg:$0x0] =	wrdreg $0x0  }
0xae: {  	s12 =	sshll.u32 s25, $0x1;
	[dreg:$0x2] =	wrdreg s10  }
0xaf: {  	[dreg:$0x3] =	wrdreg s12  }
0xb0: {  	[dreg:$0x4] =	wrdreg $0xC0  }
0xb1: {  	_ =	task [dreg:s14], $0x5FFFF  }
0xb2: {  	[dreg:$0x1] =	wrdreg $0xFFFFFFFF  }
0xb3: {  	[dreg:$0x0] =	wrdreg $0x60  }
0xb4: {  	[dreg:$0x2] =	wrdreg s0  }
0xb5: {  	[dreg:$0x3] =	wrdreg s16  }
0xb6: {  	[dreg:$0x4] =	wrdreg s2  }
0xb7: {  	[dreg:$0x5] =	wrdreg s9  }
0xb8: {  	[dreg:$0x6] =	wrdreg s22  }
0xb9: {  	[dreg:$0x7] =	wrdreg s3  }
0xba: {  	[dreg:$0x8] =	wrdreg s4  }
0xbb: {  	[dreg:$0x9] =	wrdreg s5  }
0xbc: {  	[dreg:$0xa] =	wrdreg s6  }
0xbd: {  	[dreg:$0xb] =	wrdreg s7  }
0xbe: {  	[dreg:$0xc] =	wrdreg s8  }
0xbf: {  	[dreg:$0xd] =	wrdreg $0x9  }
0xc0: {  	_ =	task.clear_ibuf [dreg:s14], $0xEFFFF;
	_ =	strace $0x90000046  }
0xc1: {  	s26 =	simm.s32 $0x9;
	_ =	strace $0x80000048  }
0xc2: {  	_ =	swait.ge [sflag:s26], $0x1  }
0xc3: {  	[sflag:s26] =	ssyncadd.s32 $0xFFFFFFFF  }
0xc4: {  	_ =	strace $0x90000048  }
0xc5: {  	_ =	sfence  }
0xc6: {  	s28 =	sld [smem:$0x0];
	_ =	sdelay $0x1  }
0xc7: {  	s29 =	srdreg.scid  }
0xc8: {  	s30 =	sshll.u32 s29, $0xD;
	s31 =	sshrl.u32 s29, $0x2  }
0xc9: {  	s1 =	sand.u32 $0x1, s29;
	s2 =	sand.u32 $0x4000, s30;
	s0 =	sadd.s32 s31, s28  }
0xca: {  	s1 =	sor.u32 s2, s1;
	s0 =	sshll.u32 s0, $0x11  }
0xcb: {  	s0 =	sor.u32 s0, s1  }
0xcc: {  	s0 =	sadd.s32 $0x8F2B, s0  }
0xcd: {  	[sflag:s0] =	ssyncadd.remote.s32 $0x1  }
0xce: {  	_ =	sfence.sel $0xFFFF  }
0xcf: {  	[dreg:$0x0] =	wrdreg $0xFFFFFFFF;
	(pc) =	sbr.abs _section_cstart, $3  }
0xd0: {  	[dreg:$0x1] =	wrdreg $0xFFFFFFFF  }
0xd1: {  	_ =	task.clear_ibuf [dreg:s14], $0x2FFFF;
	_ =	strace $0x9FFFFFFF  }
0xd2: {  	(tm) =	ssettm $0x7FFFFFFF  }
0xd3: {  	_ =	shalt  }
tec
execute0_lowered:
.L_overlay_start_1:
0x0: {  	(tag) =	ssettag $0x1  }
0x1: {  	s8 =	rddreg [dreg:$0x0]  }
0x2: {  	s7 =	rddreg [dreg:$0x1]  }
0x3: {  	s6 =	rddreg [dreg:$0x2]  }
0x4: {  	s4 =	rddreg [dreg:$0x3]  }
0x5: {  	s2 =	rddreg [dreg:$0x4]  }
0x6: {  	s14 =	rddreg [dreg:$0x5]  }
0x7: {  	s13 =	rddreg [dreg:$0x6];
	s1 =	stileid.u32  }
0x8: {  	s12 =	rddreg [dreg:$0x7];
	p0 =	sgt.u32 s1, $0x7  }
.Ltmp0:
0x9: {  	s11 =	rddreg [dreg:$0x8];
	(pc) =	sbr.rel @p0 .LBB2_5-.Ltmp0, $4  }
0xa: {  	s10 =	rddreg [dreg:$0x9]  }
0xb: {  	s9 =	rddreg [dreg:$0xa];
	s0 =	simm.s32 $0x0  }
0xc: {  	[smem:$0x7FF] =	sst s0  }
0xd: {  	s0 =	rddreg [dreg:$0xb];
	_ =	strace $0x80000047  }
0xe: {  	p0 =	sgt.u32 s1, $0x5  }
.Ltmp1:
0xf: {  	_ = 	snop;
	(pc) =	sbr.rel @p0 .LBB2_3-.Ltmp1, $2  }
0x10: {  	_ =	sdelay $0x2  }
0x11: {  	s15 =	sadd.s32 $0x600, s2;
	s2 =	sadd.s32 $0x800, s2  }
0x12: {  	s3 =	simm.s32 $0x0;
	s5 =	simm.s32 $0x180  }
0x13: {  	[tilespmem:s5], [sflag:$0x1] =	stream.linear.gather [hbm4b:s4+s3], $0x400, $0x38;
	[tilespmem:$0x1C00] =	vst v63  }
0x14: {  	s29 =	simm.s32 $0x580  }
0x15: {  	[tilespmem:s29], [sflag:$0x1] =	stream.linear.gather [hbm4b:s15+s3], $0x280, $0x38;
	[tilespmem:$0x1C00] =	vst v63  }
0x16: {  	s30 =	simm.s32 $0xA80  }
0x17: {  	[tilespmem:s30], [sflag:$0x1] =	stream.linear.gather [hbm4b:s14+s3], $0x180, $0x38;
	[tilespmem:$0x1C00] =	vst v63  }
0x18: {  	s31 =	simm.s32 $0xD88  }
0x19: {  	[tilespmem:s31], [sflag:$0x1] =	stream.linear.gather [hbm4b:s13+s3], $0x4, $0x38;
	[tilespmem:$0x1C00] =	vst v63  }
0x1a: {  	s14 =	simm.s32 $0xF00  }
0x1b: {  	[tilespmem:s14], [sflag:$0x1] =	stream.linear.gather [hbm4b:s12+s3], $0x180, $0x38;
	[tilespmem:$0x1C00] =	vst v63  }
0x1c: {  	s15 =	simm.s32 $0x1208  }
0x1d: {  	[tilespmem:s15], [sflag:$0x1] =	stream.linear.gather [hbm4b:s11+s3], $0x4, $0x38;
	[tilespmem:$0x1C00] =	vst v63  }
0x1e: {  	s16 =	simm.s32 $0x1300  }
0x1f: {  	[tilespmem:s16], [sflag:$0x1] =	stream.linear.gather [hbm4b:s10+s3], $0x80, $0x38;
	[tilespmem:$0x1C00] =	vst v63  }
0x20: {  	s17 =	sshll.u32 s1, $0x1;
	s18 =	simm.s32 $0x1388  }
0x21: {  	[tilespmem:s18], [sflag:$0x1] =	stream.linear.gather [hbm4b:s9+s3], $0x8, $0x38;
	[tilespmem:$0x1C00] =	vst v63  }
0x22: {  	s8 =	sadd.s32 s8, s17  }
0x23: {  	[tilespmem:s3], [sflag:$0x1] =	stream.linear.gather [hbm4b:s8+s3], $0x10, $0x38;
	[tilespmem:$0x1C00] =	vst v63  }
0x24: {  	s19 =	simm.s32 $0x80;
	s7 =	sadd.s32 s7, s17  }
0x25: {  	[tilespmem:s19], [sflag:$0x1] =	stream.linear.gather [hbm4b:s7+s3], $0x10, $0x38;
	[tilespmem:$0x1C00] =	vst v63  }
0x26: {  	s20 =	simm.s32 $0x100;
	s21 =	simm.s32 $0x1;
	s6 =	sadd.s32 s6, s17  }
0x27: {  	[tilespmem:s20], [sflag:$0x1] =	stream.linear.gather [hbm4b:s6+s3], $0x10, $0x38;
	[tilespmem:$0x1C00] =	vst v63  }
0x28: {  	_ =	swait.ge [sflag:s21], $0x400  }
0x29: {  	[sflag:s21] =	ssyncset.done $0x0  }
0x2a: {  	[sflag:s21] =	ssyncadd.s32 $0xFFFFFC00  }
0x2b: {  	_ =	swait.ge [sflag:s21], $0x280  }
0x2c: {  	[sflag:s21] =	ssyncset.done $0x0  }
0x2d: {  	[sflag:s21] =	ssyncadd.s32 $0xFFFFFD80  }
0x2e: {  	_ =	swait.ge [sflag:s21], $0x180  }
0x2f: {  	[sflag:s21] =	ssyncset.done $0x0  }
0x30: {  	[sflag:s21] =	ssyncadd.s32 $0xFFFFFE80  }
0x31: {  	_ =	swait.ge [sflag:s21], $0x4  }
0x32: {  	[sflag:s21] =	ssyncset.done $0x0  }
0x33: {  	[sflag:s21] =	ssyncadd.s32 $0xFFFFFFFC  }
0x34: {  	_ =	swait.ge [sflag:s21], $0x180  }
0x35: {  	[sflag:s21] =	ssyncset.done $0x0  }
0x36: {  	[sflag:s21] =	ssyncadd.s32 $0xFFFFFE80  }
0x37: {  	_ =	swait.ge [sflag:s21], $0x4  }
0x38: {  	[sflag:s21] =	ssyncset.done $0x0  }
0x39: {  	[sflag:s21] =	ssyncadd.s32 $0xFFFFFFFC  }
0x3a: {  	_ =	swait.ge [sflag:s21], $0x80  }
0x3b: {  	[sflag:s21] =	ssyncset.done $0x0  }
0x3c: {  	[sflag:s21] =	ssyncadd.s32 $0xFFFFFF80  }
0x3d: {  	_ =	swait.ge [sflag:s21], $0x8  }
0x3e: {  	[sflag:s21] =	ssyncset.done $0x0  }
0x3f: {  	[sflag:s21] =	ssyncadd.s32 $0xFFFFFFF8  }
0x40: {  	_ =	swait.ge [sflag:s21], $0x10  }
0x41: {  	[sflag:s21] =	ssyncset.done $0x0  }
0x42: {  	[sflag:s21] =	ssyncadd.s32 $0xFFFFFFF0  }
0x43: {  	_ =	swait.ge [sflag:s21], $0x10  }
0x44: {  	[sflag:s21] =	ssyncset.done $0x0  }
0x45: {  	[sflag:s21] =	ssyncadd.s32 $0xFFFFFFF0  }
0x46: {  	_ =	swait.ge [sflag:s21], $0x10  }
0x47: {  	[sflag:s21] =	ssyncset.done $0x0  }
0x48: {  	[sflag:s21] =	ssyncadd.s32 $0xFFFFFFF0  }
0x49: {  	v0 =	vld [tilespmem:$0x80];
	_ =	sdelay $0x1  }
0x4a: {  	v1 =	vimm.s32 $0x80;
	v2 =	vld [tilespmem:$0x100];
	_ =	sdelay $0x1  }
0x4b: {  	v4 =	vimm.s32 $0x8  }
0x4c: {  	v0 =	vshll.u32 v0, $0x7  }
0x4d: {  	s22 =	simm.s32 $0x1280;
	v8 =	vld [tilespmem:$0x0]  }
0x4e: {  	v6 =	vld.idx.msk [tilespmem:v1+s22+$0x0], $0xffff;
	v7 =	vshll.u32 v2, $0x7  }
0x4f: {  	s23 =	simm.s32 $0x1380;
	v3 =	vor.u32 $0x1, v0  }
0x50: {  	v54 =	vlaneseq.u32;
	v10 =	vld.idx.msk [tilespmem:v4+s23+$0x0], $0xffff;
	v5 =	vor.u32 $0x2, v0  }
0x51: {  	v9 =	vor.u32 $0x1, v7;
	v1 =	vld.idx.msk [tilespmem:v0+s5+$0x0], $0xffff;
	v0 =	vmul.u32 $0x80, v54  }
0x52: {  	v11 =	vor.u32 $0x2, v7  }
0x53: {  	v56 =	vimm.s32 $0x81;
	v55 =	vmul.f32 v6, v8;
	v12 =	vld.idx.msk [tilespmem:v7+s29+$0x0], $0xffff  }
0x54: {  	v3 =	vld.idx.msk [tilespmem:v3+s5+$0x0], $0xffff  }
0x55: {  	v57 =	vimm.s32 $0x9;
	v2 =	vld.idx.msk [tilespmem:v5+s5+$0x0], $0xffff;
	v5 =	vadd.f32 v10, v55  }
0x56: {  	s24 =	simm.s32 $0x1400;
	v9 =	vld.idx.msk [tilespmem:v9+s29+$0x0], $0xffff  }
0x57: {  	v58 =	vld.idx.msk [tilespmem:v11+s29+$0x0], $0xffff;
	[tilespmem:v0+s24+$0x0] =	vst.idx.msk $0xffff, v5  }
0x58: {  	v5 =	vld.idx.msk [tilespmem:v56+s22+$0x0], $0xffff;
	_ =	sdelay $0x1  }
0x59: {  	v59 =	vld.idx.msk [tilespmem:v57+s23+$0x0], $0xffff;
	_ =	sdelay $0x1  }
0x5a: {  	v60 =	vor.u32 $0x1, v0  }
0x5b: {  	v13 =	vimm.s32 $0x82;
	v5 =	vmul.f32 v5, v8;
	_ =	sdelay $0x1  }
0x5c: {  	v61 =	vimm.s32 $0xA;
	v5 =	vadd.f32 v59, v5;
	_ =	sdelay $0x1  }
0x5d: {  	[tilespmem:v60+s24+$0x0] =	vst.idx.msk $0xffff, v5  }
0x5e: {  	v5 =	vld.idx.msk [tilespmem:v13+s22+$0x0], $0xffff;
	_ =	sdelay $0x1  }
0x5f: {  	v11 =	vld.idx.msk [tilespmem:v61+s23+$0x0], $0xffff;
	_ =	sdelay $0x1  }
0x60: {  	v62 =	vor.u32 $0x2, v0  }
0x61: {  	v14 =	vimm.s32 $0x83;
	v5 =	vmul.f32 v5, v8;
	_ =	sdelay $0x1  }
0x62: {  	v63 =	vimm.s32 $0xB;
	v11 =	vadd.f32 v11, v5;
	_ =	sdelay $0x1  }
0x63: {  	[tilespmem:v62+s24+$0x0] =	vst.idx.msk $0xffff, v11  }
0x64: {  	v11 =	vld.idx.msk [tilespmem:v14+s22+$0x0], $0xffff;
	_ =	sdelay $0x1  }
0x65: {  	v13 =	vld.idx.msk [tilespmem:v63+s23+$0x0], $0xffff;
	_ =	sdelay $0x1  }
0x66: {  	v20 =	vor.u32 $0x3, v0  }
0x67: {  	v15 =	vimm.s32 $0x84;
	v11 =	vmul.f32 v11, v8;
	_ =	sdelay $0x1  }
0x68: {  	v21 =	vimm.s32 $0xC;
	v11 =	vadd.f32 v13, v11;
	_ =	sdelay $0x1  }
0x69: {  	[tilespmem:v20+s24+$0x0] =	vst.idx.msk $0xffff, v11  }
0x6a: {  	v11 =	vld.idx.msk [tilespmem:v15+s22+$0x0], $0xffff;
	_ =	sdelay $0x1  }
0x6b: {  	v13 =	vld.idx.msk [tilespmem:v21+s23+$0x0], $0xffff;
	_ =	sdelay $0x1  }
0x6c: {  	v22 =	vor.u32 $0x4, v0  }
0x6d: {  	v23 =	vimm.s32 $0x85;
	v11 =	vmul.f32 v11, v8;
	_ =	sdelay $0x1  }
0x6e: {  	v24 =	vimm.s32 $0xD;
	v11 =	vadd.f32 v13, v11;
	_ =	sdelay $0x1  }
0x6f: {  	[tilespmem:v22+s24+$0x0] =	vst.idx.msk $0xffff, v11  }
0x70: {  	v11 =	vld.idx.msk [tilespmem:v23+s22+$0x0], $0xffff;
	_ =	sdelay $0x1  }
0x71: {  	v13 =	vld.idx.msk [tilespmem:v24+s23+$0x0], $0xffff;
	_ =	sdelay $0x1  }
0x72: {  	v25 =	vor.u32 $0x5, v0  }
0x73: {  	v26 =	vimm.s32 $0x86;
	v11 =	vmul.f32 v11, v8;
	_ =	sdelay $0x1  }
0x74: {  	v27 =	vimm.s32 $0xE;
	v11 =	vadd.f32 v13, v11;
	_ =	sdelay $0x1  }
0x75: {  	[tilespmem:v25+s24+$0x0] =	vst.idx.msk $0xffff, v11  }
0x76: {  	v11 =	vld.idx.msk [tilespmem:v26+s22+$0x0], $0xffff;
	_ =	sdelay $0x1  }
0x77: {  	v13 =	vld.idx.msk [tilespmem:v27+s23+$0x0], $0xffff;
	_ =	sdelay $0x1  }
0x78: {  	v28 =	vor.u32 $0x6, v0  }
0x79: {  	v29 =	vimm.s32 $0x87;
	v11 =	vmul.f32 v11, v8;
	_ =	sdelay $0x1  }
0x7a: {  	v30 =	vimm.s32 $0xF;
	v11 =	vadd.f32 v13, v11;
	_ =	sdelay $0x1  }
0x7b: {  	[tilespmem:v28+s24+$0x0] =	vst.idx.msk $0xffff, v11  }
0x7c: {  	v11 =	vld.idx.msk [tilespmem:v29+s22+$0x0], $0xffff;
	_ =	sdelay $0x1  }
0x7d: {  	v13 =	vld.idx.msk [tilespmem:v30+s23+$0x0], $0xffff;
	_ =	sdelay $0x1  }
0x7e: {  	v31 =	vor.u32 $0x7, v0  }
0x7f: {  	v32 =	vimm.s32 $0x100;
	v8 =	vmul.f32 v11, v8  }
0x80: {  	v33 =	vimm.s32 $0x180  }
0x81: {  	v8 =	vadd.f32 v13, v8  }
0x82: {  	v34 =	vimm.s32 $0x200  }
0x83: {  	s25 =	simm.s32 $0xE00;
	[tilespmem:v31+s24+$0x0] =	vst.idx.msk $0xffff, v8  }
0x84: {  	v8 =	vld.idx.msk [tilespmem:v32+s25+$0x0], $0xffff  }
0x85: {  	v14 =	vld.idx.msk [tilespmem:v33+s25+$0x0], $0xffff;
	_ =	sdelay $0x1  }
0x86: {  	v16 =	vld.idx.msk [tilespmem:v34+s25+$0x0], $0xffff;
	_ =	sdelay $0x2  }
0x87: {  	s26 =	simm.s32 $0x1200;
	v8 =	vmul.f32 v8, v12;
	v14 =	vmul.f32 v14, v9  }
0x88: {  	v17 =	vld.idx.msk [tilespmem:v4+s26+$0x0], $0xffff  }
0x89: {  	v35 =	vmul.f32 v16, v58;
	v8 =	vadd.f32 v14, v8  }
0x8a: {  	v36 =	vor.u32 $0x8, v0  }
0x8b: {  	v37 =	vimm.s32 $0x101;
	v8 =	vadd.f32 v35, v8  }
0x8c: {  	v18 =	vimm.s32 $0x181  }
0x8d: {  	v8 =	vadd.f32 v8, v17  }
0x8e: {  	v38 =	vimm.s32 $0x201  }
0x8f: {  	[tilespmem:v36+s24+$0x0] =	vst.idx.msk $0xffff, v8  }
0x90: {  	v8 =	vld.idx.msk [tilespmem:v37+s25+$0x0], $0xffff  }
0x91: {  	v16 =	vld.idx.msk [tilespmem:v18+s25+$0x0], $0xffff;
	_ =	sdelay $0x1  }
0x92: {  	v19 =	vld.idx.msk [tilespmem:v38+s25+$0x0], $0xffff;
	_ =	sdelay $0x2  }
0x93: {  	v8 =	vmul.f32 v8, v12;
	v16 =	vmul.f32 v16, v9  }
0x94: {  	v20 =	vld.idx.msk [tilespmem:v57+s26+$0x0], $0xffff  }
0x95: {  	v39 =	vmul.f32 v19, v58;
	v8 =	vadd.f32 v16, v8  }
0x96: {  	v40 =	vor.u32 $0x9, v0  }
0x97: {  	v41 =	vimm.s32 $0x102;
	v8 =	vadd.f32 v39, v8  }
0x98: {  	v21 =	vimm.s32 $0x182  }
0x99: {  	v8 =	vadd.f32 v8, v20  }
0x9a: {  	v42 =	vimm.s32 $0x202  }
0x9b: {  	[tilespmem:v40+s24+$0x0] =	vst.idx.msk $0xffff, v8  }
0x9c: {  	v8 =	vld.idx.msk [tilespmem:v41+s25+$0x0], $0xffff  }
0x9d: {  	v19 =	vld.idx.msk [tilespmem:v21+s25+$0x0], $0xffff;
	_ =	sdelay $0x1  }
0x9e: {  	v22 =	vld.idx.msk [tilespmem:v42+s25+$0x0], $0xffff;
	_ =	sdelay $0x2  }
0x9f: {  	v8 =	vmul.f32 v8, v12;
	v19 =	vmul.f32 v19, v9  }
0xa0: {  	v23 =	vld.idx.msk [tilespmem:v61+s26+$0x0], $0xffff  }
0xa1: {  	v43 =	vmul.f32 v22, v58;
	v8 =	vadd.f32 v19, v8  }
0xa2: {  	v44 =	vor.u32 $0xA, v0  }
0xa3: {  	v45 =	vimm.s32 $0x103;
	v8 =	vadd.f32 v43, v8  }
0xa4: {  	v24 =	vimm.s32 $0x183  }
0xa5: {  	v8 =	vadd.f32 v8, v23  }
0xa6: {  	v46 =	vimm.s32 $0x203  }
0xa7: {  	[tilespmem:v44+s24+$0x0] =	vst.idx.msk $0xffff, v8  }
0xa8: {  	v8 =	vld.idx.msk [tilespmem:v45+s25+$0x0], $0xffff  }
0xa9: {  	v22 =	vld.idx.msk [tilespmem:v24+s25+$0x0], $0xffff;
	_ =	sdelay $0x1  }
0xaa: {  	v25 =	vld.idx.msk [tilespmem:v46+s25+$0x0], $0xffff;
	_ =	sdelay $0x2  }
0xab: {  	v8 =	vmul.f32 v8, v12;
	v9 =	vmul.f32 v22, v9  }
0xac: {  	v47 =	vld.idx.msk [tilespmem:v63+s26+$0x0], $0xffff  }
0xad: {  	v48 =	vmul.f32 v25, v58;
	v8 =	vadd.f32 v9, v8  }
0xae: {  	v49 =	vor.u32 $0xB, v0  }
0xaf: {  	v8 =	vadd.f32 v48, v8;
	_ =	sdelay $0x1  }
0xb0: {  	v8 =	vadd.f32 v8, v47;
	_ =	sdelay $0x1  }
0xb1: {  	s28 =	simm.s32 $0x980;
	[tilespmem:v49+s24+$0x0] =	vst.idx.msk $0xffff, v8  }
0xb2: {  	v8 =	vld.idx.msk [tilespmem:v32+s28+$0x0], $0xffff  }
0xb3: {  	v50 =	vld.idx.msk [tilespmem:v33+s28+$0x0], $0xffff;
	_ =	sdelay $0x1  }
0xb4: {  	v10 =	vld.idx.msk [tilespmem:v34+s28+$0x0], $0xffff;
	_ =	sdelay $0x2  }
0xb5: {  	s29 =	simm.s32 $0xD80;
	v8 =	vmul.f32 v8, v1;
	v9 =	vmul.f32 v50, v3  }
0xb6: {  	v4 =	vld.idx.msk [tilespmem:v4+s29+$0x0], $0xffff  }
0xb7: {  	v51 =	vmul.f32 v10, v2;
	v8 =	vadd.f32 v9, v8  }
0xb8: {  	v52 =	vor.u32 $0xC, v0  }
0xb9: {  	v8 =	vadd.f32 v51, v8;
	_ =	sdelay $0x1  }
0xba: {  	v4 =	vadd.f32 v8, v4;
	_ =	sdelay $0x1  }
0xbb: {  	[tilespmem:v52+s24+$0x0] =	vst.idx.msk $0xffff, v4  }
0xbc: {  	v4 =	vld.idx.msk [tilespmem:v37+s28+$0x0], $0xffff  }
0xbd: {  	v53 =	vld.idx.msk [tilespmem:v18+s28+$0x0], $0xffff;
	_ =	sdelay $0x1  }
0xbe: {  	v54 =	vld.idx.msk [tilespmem:v38+s28+$0x0], $0xffff;
	_ =	sdelay $0x2  }
0xbf: {  	v4 =	vmul.f32 v4, v1;
	v8 =	vmul.f32 v53, v3  }
0xc0: {  	v7 =	vld.idx.msk [tilespmem:v57+s29+$0x0], $0xffff  }
0xc1: {  	v55 =	vmul.f32 v54, v2;
	v4 =	vadd.f32 v8, v4  }
0xc2: {  	v56 =	vor.u32 $0xD, v0  }
0xc3: {  	v4 =	vadd.f32 v55, v4;
	_ =	sdelay $0x1  }
0xc4: {  	v4 =	vadd.f32 v4, v7;
	_ =	sdelay $0x1  }
0xc5: {  	[tilespmem:v56+s24+$0x0] =	vst.idx.msk $0xffff, v4  }
0xc6: {  	v4 =	vld.idx.msk [tilespmem:v41+s28+$0x0], $0xffff  }
0xc7: {  	v57 =	vld.idx.msk [tilespmem:v21+s28+$0x0], $0xffff;
	_ =	sdelay $0x1  }
0xc8: {  	v58 =	vld.idx.msk [tilespmem:v42+s28+$0x0], $0xffff;
	_ =	sdelay $0x2  }
0xc9: {  	v4 =	vmul.f32 v4, v1;
	v7 =	vmul.f32 v57, v3  }
0xca: {  	v6 =	vld.idx.msk [tilespmem:v61+s29+$0x0], $0xffff  }
0xcb: {  	v59 =	vmul.f32 v58, v2;
	v4 =	vadd.f32 v7, v4  }
0xcc: {  	v60 =	vor.u32 $0xE, v0  }
0xcd: {  	v4 =	vadd.f32 v59, v4;
	_ =	sdelay $0x1  }
0xce: {  	v4 =	vadd.f32 v4, v6;
	_ =	sdelay $0x1  }
0xcf: {  	[tilespmem:v60+s24+$0x0] =	vst.idx.msk $0xffff, v4  }
0xd0: {  	v4 =	vld.idx.msk [tilespmem:v45+s28+$0x0], $0xffff  }
0xd1: {  	v61 =	vld.idx.msk [tilespmem:v24+s28+$0x0], $0xffff;
	_ =	sdelay $0x1  }
0xd2: {  	v62 =	vld.idx.msk [tilespmem:v46+s28+$0x0], $0xffff;
	_ =	sdelay $0x2  }
0xd3: {  	v1 =	vmul.f32 v4, v1;
	v3 =	vmul.f32 v61, v3  }
0xd4: {  	v63 =	vld.idx.msk [tilespmem:v63+s29+$0x0], $0xffff  }
0xd5: {  	v2 =	vmul.f32 v62, v2;
	v1 =	vadd.f32 v3, v1  }
0xd6: {  	v0 =	vor.u32 $0xF, v0  }
0xd7: {  	v1 =	vadd.f32 v2, v1;
	_ =	sdelay $0x1  }
0xd8: {  	v1 =	vadd.f32 v1, v63  }
0xd9: {  	s30 =	sshll.u32 s1, $0x8  }
.Ltmp2:
0xda: {  	s2 =	sadd.s32 s2, s30;
	s31 =	simm.s32 $0x2;
	[tilespmem:v0+s24+$0x0] =	vst.idx.msk $0xffff, v1;
	(pc) =	sbr.rel .LBB2_5-.Ltmp2, $4  }
0xdb: {  	[hbm4b:s2+s3] =	stream.linear.scatter [tilespmem:s24], [sflag:$0x2], $0x800, $0x38;
	[tilespmem:$0x1C00] =	vst v63  }
0xdc: {  	_ =	swait.ge [sflag:s31], $0x800  }
0xdd: {  	[sflag:s31] =	ssyncset.done $0x0  }
0xde: {  	[sflag:s31] =	ssyncadd.s32 $0xFFFFF800  }
.LBB2_3:
0xdf: {  	p0 =	sne.s32 s1, $0x6  }
.Ltmp3:
0xe0: {  	_ = 	snop;
	(pc) =	sbr.rel @p0 .LBB2_5-.Ltmp3, $1  }
0xe1: {  	_ =	sdelay $0x3  }
0xe2: {  	s3 =	simm.s32 $0x0;
	s5 =	simm.s32 $0x180  }
0xe3: {  	[tilespmem:s5], [sflag:$0x1] =	stream.linear.gather [hbm4b:s4+s3], $0x400, $0x38;
	[tilespmem:$0x1C00] =	vst v63  }
0xe4: {  	s30 =	simm.s32 $0x580  }
0xe5: {  	[tilespmem:s30], [sflag:$0x1] =	stream.linear.gather [hbm4b:s15+s3], $0x280, $0x38;
	[tilespmem:$0x1C00] =	vst v63  }
0xe6: {  	s31 =	simm.s32 $0xA80  }
0xe7: {  	[tilespmem:s31], [sflag:$0x1] =	stream.linear.gather [hbm4b:s14+s3], $0x180, $0x38;
	[tilespmem:$0x1C00] =	vst v63  }
0xe8: {  	s15 =	simm.s32 $0xD88  }
0xe9: {  	[tilespmem:s15], [sflag:$0x1] =	stream.linear.gather [hbm4b:s13+s3], $0x4, $0x38;
	[tilespmem:$0x1C00] =	vst v63  }
0xea: {  	s16 =	simm.s32 $0xF00  }
0xeb: {  	[tilespmem:s16], [sflag:$0x1] =	stream.linear.gather [hbm4b:s12+s3], $0x180, $0x38;
	[tilespmem:$0x1C00] =	vst v63  }
0xec: {  	s17 =	simm.s32 $0x1208  }
0xed: {  	[tilespmem:s17], [sflag:$0x1] =	stream.linear.gather [hbm4b:s11+s3], $0x4, $0x38;
	[tilespmem:$0x1C00] =	vst v63  }
0xee: {  	s18 =	simm.s32 $0x1300  }
0xef: {  	[tilespmem:s18], [sflag:$0x1] =	stream.linear.gather [hbm4b:s10+s3], $0x80, $0x38;
	[tilespmem:$0x1C00] =	vst v63  }
0xf0: {  	s19 =	simm.s32 $0x1388  }
0xf1: {  	v0 =	vimm.f32 $0.0e+00;
	[tilespmem:s19], [sflag:$0x1] =	stream.linear.gather [hbm4b:s9+s3], $0x8, $0x38;
	[tilespmem:$0x1C00] =	vst v63  }
0xf2: {  	v52 =	vimm.s32 $0x0;
	[tilespmem:$0x0] =	vst v0  }
0xf3: {  	[tilespmem:$0x80] =	vst v52  }
0xf4: {  	s8 =	sadd.s32 $0xC, s8;
	[tilespmem:$0x100] =	vst v52  }
0xf5: {  	[tilespmem:s3], [sflag:$0x1] =	stream.linear.gather [hbm4b:s8+s3], $0x1, $0x38;
	[tilespmem:$0x1C00] =	vst v63  }
0xf6: {  	s7 =	sadd.s32 $0xC, s7;
	s20 =	simm.s32 $0x80  }
0xf7: {  	[tilespmem:s20], [sflag:$0x1] =	stream.linear.gather [hbm4b:s7+s3], $0x1, $0x38;
	[tilespmem:$0x1C00] =	vst v63  }
0xf8: {  	s6 =	sadd.s32 $0xC, s6;
	s21 =	simm.s32 $0x100;
	s22 =	simm.s32 $0x1  }
0xf9: {  	[tilespmem:s21], [sflag:$0x1] =	stream.linear.gather [hbm4b:s6+s3], $0x1, $0x38;
	[tilespmem:$0x1C00] =	vst v63  }
0xfa: {  	_ =	swait.ge [sflag:s22], $0x400  }
0xfb: {  	[sflag:s22] =	ssyncset.done $0x0  }
0xfc: {  	[sflag:s22] =	ssyncadd.s32 $0xFFFFFC00  }
0xfd: {  	_ =	swait.ge [sflag:s22], $0x280  }
0xfe: {  	[sflag:s22] =	ssyncset.done $0x0  }
0xff: {  	[sflag:s22] =	ssyncadd.s32 $0xFFFFFD80  }
0x100: {  	_ =	swait.ge [sflag:s22], $0x180  }
0x101: {  	[sflag:s22] =	ssyncset.done $0x0  }
0x102: {  	[sflag:s22] =	ssyncadd.s32 $0xFFFFFE80  }
0x103: {  	_ =	swait.ge [sflag:s22], $0x4  }
0x104: {  	[sflag:s22] =	ssyncset.done $0x0  }
0x105: {  	[sflag:s22] =	ssyncadd.s32 $0xFFFFFFFC  }
0x106: {  	_ =	swait.ge [sflag:s22], $0x180  }
0x107: {  	[sflag:s22] =	ssyncset.done $0x0  }
0x108: {  	[sflag:s22] =	ssyncadd.s32 $0xFFFFFE80  }
0x109: {  	_ =	swait.ge [sflag:s22], $0x4  }
0x10a: {  	[sflag:s22] =	ssyncset.done $0x0  }
0x10b: {  	[sflag:s22] =	ssyncadd.s32 $0xFFFFFFFC  }
0x10c: {  	_ =	swait.ge [sflag:s22], $0x80  }
0x10d: {  	[sflag:s22] =	ssyncset.done $0x0  }
0x10e: {  	[sflag:s22] =	ssyncadd.s32 $0xFFFFFF80  }
0x10f: {  	_ =	swait.ge [sflag:s22], $0x8  }
0x110: {  	[sflag:s22] =	ssyncset.done $0x0  }
0x111: {  	[sflag:s22] =	ssyncadd.s32 $0xFFFFFFF8  }
0x112: {  	_ =	swait.ge [sflag:s22], $0x1  }
0x113: {  	[sflag:s22] =	ssyncset.done $0x0  }
0x114: {  	[sflag:s22] =	ssyncadd.s32 $0xFFFFFFFF  }
0x115: {  	_ =	swait.ge [sflag:s22], $0x1  }
0x116: {  	[sflag:s22] =	ssyncset.done $0x0  }
0x117: {  	[sflag:s22] =	ssyncadd.s32 $0xFFFFFFFF  }
0x118: {  	_ =	swait.ge [sflag:s22], $0x1  }
0x119: {  	[sflag:s22] =	ssyncset.done $0x0  }
0x11a: {  	[sflag:s22] =	ssyncadd.s32 $0xFFFFFFFF  }
0x11b: {  	v53 =	vld [tilespmem:$0x80];
	_ =	sdelay $0x1  }
0x11c: {  	v1 =	vimm.s32 $0x80;
	v2 =	vld [tilespmem:$0x100];
	_ =	sdelay $0x1  }
0x11d: {  	v4 =	vimm.s32 $0x8  }
0x11e: {  	v0 =	vshll.u32 v53, $0x7  }
0x11f: {  	s23 =	simm.s32 $0x1280;
	v8 =	vld [tilespmem:$0x0]  }
0x120: {  	v6 =	vld.idx.msk [tilespmem:v1+s23+$0x0], $0xffff;
	v7 =	vshll.u32 v2, $0x7  }
0x121: {  	s24 =	simm.s32 $0x1380;
	v3 =	vor.u32 $0x1, v0  }
0x122: {  	v54 =	vlaneseq.u32;
	v10 =	vld.idx.msk [tilespmem:v4+s24+$0x0], $0xffff;
	v5 =	vor.u32 $0x2, v0  }
0x123: {  	v9 =	vor.u32 $0x1, v7;
	v1 =	vld.idx.msk [tilespmem:v0+s5+$0x0], $0xffff;
	v0 =	vmul.u32 $0x80, v54  }
0x124: {  	v11 =	vor.u32 $0x2, v7  }
0x125: {  	v56 =	vimm.s32 $0x81;
	v55 =	vmul.f32 v6, v8;
	v12 =	vld.idx.msk [tilespmem:v7+s30+$0x0], $0xffff  }
0x126: {  	v3 =	vld.idx.msk [tilespmem:v3+s5+$0x0], $0xffff  }
0x127: {  	v57 =	vimm.s32 $0x9;
	v2 =	vld.idx.msk [tilespmem:v5+s5+$0x0], $0xffff;
	v5 =	vadd.f32 v10, v55  }
0x128: {  	s25 =	simm.s32 $0x1400;
	v9 =	vld.idx.msk [tilespmem:v9+s30+$0x0], $0xffff  }
0x129: {  	v58 =	vld.idx.msk [tilespmem:v11+s30+$0x0], $0xffff;
	[tilespmem:v0+s25+$0x0] =	vst.idx.msk $0xffff, v5  }
0x12a: {  	v5 =	vld.idx.msk [tilespmem:v56+s23+$0x0], $0xffff;
	_ =	sdelay $0x1  }
0x12b: {  	v59 =	vld.idx.msk [tilespmem:v57+s24+$0x0], $0xffff;
	_ =	sdelay $0x1  }
0x12c: {  	v60 =	vor.u32 $0x1, v0  }
0x12d: {  	v13 =	vimm.s32 $0x82;
	v5 =	vmul.f32 v5, v8;
	_ =	sdelay $0x1  }
0x12e: {  	v61 =	vimm.s32 $0xA;
	v5 =	vadd.f32 v59, v5;
	_ =	sdelay $0x1  }
0x12f: {  	[tilespmem:v60+s25+$0x0] =	vst.idx.msk $0xffff, v5  }
0x130: {  	v5 =	vld.idx.msk [tilespmem:v13+s23+$0x0], $0xffff;
	_ =	sdelay $0x1  }
0x131: {  	v11 =	vld.idx.msk [tilespmem:v61+s24+$0x0], $0xffff;
	_ =	sdelay $0x1  }
0x132: {  	v62 =	vor.u32 $0x2, v0  }
0x133: {  	v14 =	vimm.s32 $0x83;
	v5 =	vmul.f32 v5, v8;
	_ =	sdelay $0x1  }
0x134: {  	v63 =	vimm.s32 $0xB;
	v11 =	vadd.f32 v11, v5;
	_ =	sdelay $0x1  }
0x135: {  	[tilespmem:v62+s25+$0x0] =	vst.idx.msk $0xffff, v11  }
0x136: {  	v11 =	vld.idx.msk [tilespmem:v14+s23+$0x0], $0xffff;
	_ =	sdelay $0x1  }
0x137: {  	v13 =	vld.idx.msk [tilespmem:v63+s24+$0x0], $0xffff;
	_ =	sdelay $0x1  }
0x138: {  	v20 =	vor.u32 $0x3, v0  }
0x139: {  	v15 =	vimm.s32 $0x84;
	v11 =	vmul.f32 v11, v8;
	_ =	sdelay $0x1  }
0x13a: {  	v21 =	vimm.s32 $0xC;
	v11 =	vadd.f32 v13, v11;
	_ =	sdelay $0x1  }
0x13b: {  	[tilespmem:v20+s25+$0x0] =	vst.idx.msk $0xffff, v11  }
0x13c: {  	v11 =	vld.idx.msk [tilespmem:v15+s23+$0x0], $0xffff;
	_ =	sdelay $0x1  }
0x13d: {  	v13 =	vld.idx.msk [tilespmem:v21+s24+$0x0], $0xffff;
	_ =	sdelay $0x1  }
0x13e: {  	v22 =	vor.u32 $0x4, v0  }
0x13f: {  	v23 =	vimm.s32 $0x85;
	v11 =	vmul.f32 v11, v8;
	_ =	sdelay $0x1  }
0x140: {  	v24 =	vimm.s32 $0xD;
	v11 =	vadd.f32 v13, v11;
	_ =	sdelay $0x1  }
0x141: {  	[tilespmem:v22+s25+$0x0] =	vst.idx.msk $0xffff, v11  }
0x142: {  	v11 =	vld.idx.msk [tilespmem:v23+s23+$0x0], $0xffff;
	_ =	sdelay $0x1  }
0x143: {  	v13 =	vld.idx.msk [tilespmem:v24+s24+$0x0], $0xffff;
	_ =	sdelay $0x1  }
0x144: {  	v25 =	vor.u32 $0x5, v0  }
0x145: {  	v26 =	vimm.s32 $0x86;
	v11 =	vmul.f32 v11, v8;
	_ =	sdelay $0x1  }
0x146: {  	v27 =	vimm.s32 $0xE;
	v11 =	vadd.f32 v13, v11;
	_ =	sdelay $0x1  }
0x147: {  	[tilespmem:v25+s25+$0x0] =	vst.idx.msk $0xffff, v11  }
0x148: {  	v11 =	vld.idx.msk [tilespmem:v26+s23+$0x0], $0xffff;
	_ =	sdelay $0x1  }
0x149: {  	v13 =	vld.idx.msk [tilespmem:v27+s24+$0x0], $0xffff;
	_ =	sdelay $0x1  }
0x14a: {  	v28 =	vor.u32 $0x6, v0  }
0x14b: {  	v29 =	vimm.s32 $0x87;
	v11 =	vmul.f32 v11, v8;
	_ =	sdelay $0x1  }
0x14c: {  	v30 =	vimm.s32 $0xF;
	v11 =	vadd.f32 v13, v11;
	_ =	sdelay $0x1  }
0x14d: {  	[tilespmem:v28+s25+$0x0] =	vst.idx.msk $0xffff, v11  }
0x14e: {  	v11 =	vld.idx.msk [tilespmem:v29+s23+$0x0], $0xffff;
	_ =	sdelay $0x1  }
0x14f: {  	v13 =	vld.idx.msk [tilespmem:v30+s24+$0x0], $0xffff;
	_ =	sdelay $0x1  }
0x150: {  	v31 =	vor.u32 $0x7, v0  }
0x151: {  	v32 =	vimm.s32 $0x100;
	v8 =	vmul.f32 v11, v8  }
0x152: {  	v33 =	vimm.s32 $0x180  }
0x153: {  	v8 =	vadd.f32 v13, v8  }
0x154: {  	v34 =	vimm.s32 $0x200  }
0x155: {  	s26 =	simm.s32 $0xE00;
	[tilespmem:v31+s25+$0x0] =	vst.idx.msk $0xffff, v8  }
0x156: {  	v8 =	vld.idx.msk [tilespmem:v32+s26+$0x0], $0xffff  }
0x157: {  	v14 =	vld.idx.msk [tilespmem:v33+s26+$0x0], $0xffff;
	_ =	sdelay $0x1  }
0x158: {  	v16 =	vld.idx.msk [tilespmem:v34+s26+$0x0], $0xffff;
	_ =	sdelay $0x2  }
0x159: {  	s28 =	simm.s32 $0x1200;
	v8 =	vmul.f32 v8, v12;
	v14 =	vmul.f32 v14, v9  }
0x15a: {  	v17 =	vld.idx.msk [tilespmem:v4+s28+$0x0], $0xffff  }
0x15b: {  	v35 =	vmul.f32 v16, v58;
	v8 =	vadd.f32 v14, v8  }
0x15c: {  	v36 =	vor.u32 $0x8, v0  }
0x15d: {  	v37 =	vimm.s32 $0x101;
	v8 =	vadd.f32 v35, v8  }
0x15e: {  	v18 =	vimm.s32 $0x181  }
0x15f: {  	v8 =	vadd.f32 v8, v17  }
0x160: {  	v38 =	vimm.s32 $0x201  }
0x161: {  	[tilespmem:v36+s25+$0x0] =	vst.idx.msk $0xffff, v8  }
0x162: {  	v8 =	vld.idx.msk [tilespmem:v37+s26+$0x0], $0xffff  }
0x163: {  	v16 =	vld.idx.msk [tilespmem:v18+s26+$0x0], $0xffff;
	_ =	sdelay $0x1  }
0x164: {  	v19 =	vld.idx.msk [tilespmem:v38+s26+$0x0], $0xffff;
	_ =	sdelay $0x2  }
0x165: {  	v8 =	vmul.f32 v8, v12;
	v16 =	vmul.f32 v16, v9  }
0x166: {  	v20 =	vld.idx.msk [tilespmem:v57+s28+$0x0], $0xffff  }
0x167: {  	v39 =	vmul.f32 v19, v58;
	v8 =	vadd.f32 v16, v8  }
0x168: {  	v40 =	vor.u32 $0x9, v0  }
0x169: {  	v41 =	vimm.s32 $0x102;
	v8 =	vadd.f32 v39, v8  }
0x16a: {  	v21 =	vimm.s32 $0x182  }
0x16b: {  	v8 =	vadd.f32 v8, v20  }
0x16c: {  	v42 =	vimm.s32 $0x202  }
0x16d: {  	[tilespmem:v40+s25+$0x0] =	vst.idx.msk $0xffff, v8  }
0x16e: {  	v8 =	vld.idx.msk [tilespmem:v41+s26+$0x0], $0xffff  }
0x16f: {  	v19 =	vld.idx.msk [tilespmem:v21+s26+$0x0], $0xffff;
	_ =	sdelay $0x1  }
0x170: {  	v22 =	vld.idx.msk [tilespmem:v42+s26+$0x0], $0xffff;
	_ =	sdelay $0x2  }
0x171: {  	v8 =	vmul.f32 v8, v12;
	v19 =	vmul.f32 v19, v9  }
0x172: {  	v23 =	vld.idx.msk [tilespmem:v61+s28+$0x0], $0xffff  }
0x173: {  	v43 =	vmul.f32 v22, v58;
	v8 =	vadd.f32 v19, v8  }
0x174: {  	v44 =	vor.u32 $0xA, v0  }
0x175: {  	v45 =	vimm.s32 $0x103;
	v8 =	vadd.f32 v43, v8  }
0x176: {  	v24 =	vimm.s32 $0x183  }
0x177: {  	v8 =	vadd.f32 v8, v23  }
0x178: {  	v46 =	vimm.s32 $0x203  }
0x179: {  	[tilespmem:v44+s25+$0x0] =	vst.idx.msk $0xffff, v8  }
0x17a: {  	v8 =	vld.idx.msk [tilespmem:v45+s26+$0x0], $0xffff  }
0x17b: {  	v22 =	vld.idx.msk [tilespmem:v24+s26+$0x0], $0xffff;
	_ =	sdelay $0x1  }
0x17c: {  	v25 =	vld.idx.msk [tilespmem:v46+s26+$0x0], $0xffff;
	_ =	sdelay $0x2  }
0x17d: {  	v8 =	vmul.f32 v8, v12;
	v9 =	vmul.f32 v22, v9  }
0x17e: {  	v47 =	vld.idx.msk [tilespmem:v63+s28+$0x0], $0xffff  }
0x17f: {  	v48 =	vmul.f32 v25, v58;
	v8 =	vadd.f32 v9, v8  }
0x180: {  	v49 =	vor.u32 $0xB, v0  }
0x181: {  	v8 =	vadd.f32 v48, v8;
	_ =	sdelay $0x1  }
0x182: {  	v8 =	vadd.f32 v8, v47;
	_ =	sdelay $0x1  }
0x183: {  	s29 =	simm.s32 $0x980;
	[tilespmem:v49+s25+$0x0] =	vst.idx.msk $0xffff, v8  }
0x184: {  	v8 =	vld.idx.msk [tilespmem:v32+s29+$0x0], $0xffff  }
0x185: {  	v50 =	vld.idx.msk [tilespmem:v33+s29+$0x0], $0xffff;
	_ =	sdelay $0x1  }
0x186: {  	v10 =	vld.idx.msk [tilespmem:v34+s29+$0x0], $0xffff;
	_ =	sdelay $0x2  }
0x187: {  	s30 =	simm.s32 $0xD80;
	v8 =	vmul.f32 v8, v1;
	v9 =	vmul.f32 v50, v3  }
0x188: {  	v4 =	vld.idx.msk [tilespmem:v4+s30+$0x0], $0xffff  }
0x189: {  	v51 =	vmul.f32 v10, v2;
	v8 =	vadd.f32 v9, v8  }
0x18a: {  	v52 =	vor.u32 $0xC, v0  }
0x18b: {  	v8 =	vadd.f32 v51, v8;
	_ =	sdelay $0x1  }
0x18c: {  	v4 =	vadd.f32 v8, v4;
	_ =	sdelay $0x1  }
0x18d: {  	[tilespmem:v52+s25+$0x0] =	vst.idx.msk $0xffff, v4  }
0x18e: {  	v4 =	vld.idx.msk [tilespmem:v37+s29+$0x0], $0xffff  }
0x18f: {  	v53 =	vld.idx.msk [tilespmem:v18+s29+$0x0], $0xffff;
	_ =	sdelay $0x1  }
0x190: {  	v54 =	vld.idx.msk [tilespmem:v38+s29+$0x0], $0xffff;
	_ =	sdelay $0x2  }
0x191: {  	v4 =	vmul.f32 v4, v1;
	v8 =	vmul.f32 v53, v3  }
0x192: {  	v7 =	vld.idx.msk [tilespmem:v57+s30+$0x0], $0xffff  }
0x193: {  	v55 =	vmul.f32 v54, v2;
	v4 =	vadd.f32 v8, v4  }
0x194: {  	v56 =	vor.u32 $0xD, v0  }
0x195: {  	v4 =	vadd.f32 v55, v4;
	_ =	sdelay $0x1  }
0x196: {  	v4 =	vadd.f32 v4, v7;
	_ =	sdelay $0x1  }
0x197: {  	[tilespmem:v56+s25+$0x0] =	vst.idx.msk $0xffff, v4  }
0x198: {  	v4 =	vld.idx.msk [tilespmem:v41+s29+$0x0], $0xffff  }
0x199: {  	v57 =	vld.idx.msk [tilespmem:v21+s29+$0x0], $0xffff;
	_ =	sdelay $0x1  }
0x19a: {  	v58 =	vld.idx.msk [tilespmem:v42+s29+$0x0], $0xffff;
	_ =	sdelay $0x2  }
0x19b: {  	v4 =	vmul.f32 v4, v1;
	v7 =	vmul.f32 v57, v3  }
0x19c: {  	v6 =	vld.idx.msk [tilespmem:v61+s30+$0x0], $0xffff  }
0x19d: {  	v59 =	vmul.f32 v58, v2;
	v4 =	vadd.f32 v7, v4  }
0x19e: {  	v60 =	vor.u32 $0xE, v0  }
0x19f: {  	v4 =	vadd.f32 v59, v4;
	_ =	sdelay $0x1  }
0x1a0: {  	v4 =	vadd.f32 v4, v6;
	_ =	sdelay $0x1  }
0x1a1: {  	[tilespmem:v60+s25+$0x0] =	vst.idx.msk $0xffff, v4  }
0x1a2: {  	v4 =	vld.idx.msk [tilespmem:v45+s29+$0x0], $0xffff  }
0x1a3: {  	v61 =	vld.idx.msk [tilespmem:v24+s29+$0x0], $0xffff;
	_ =	sdelay $0x1  }
0x1a4: {  	v62 =	vld.idx.msk [tilespmem:v46+s29+$0x0], $0xffff;
	_ =	sdelay $0x2  }
0x1a5: {  	v1 =	vmul.f32 v4, v1;
	v3 =	vmul.f32 v61, v3  }
0x1a6: {  	v63 =	vld.idx.msk [tilespmem:v63+s30+$0x0], $0xffff  }
0x1a7: {  	v2 =	vmul.f32 v62, v2;
	v1 =	vadd.f32 v3, v1  }
0x1a8: {  	v0 =	vor.u32 $0xF, v0  }
0x1a9: {  	v1 =	vadd.f32 v2, v1;
	_ =	sdelay $0x1  }
0x1aa: {  	v1 =	vadd.f32 v1, v63;
	_ =	sdelay $0x1  }
0x1ab: {  	s2 =	sadd.s32 $0x600, s2;
	s31 =	simm.s32 $0x2;
	[tilespmem:v0+s25+$0x0] =	vst.idx.msk $0xffff, v1  }
0x1ac: {  	[hbm4b:s2+s3] =	stream.linear.scatter [tilespmem:s25], [sflag:$0x2], $0x80, $0x38;
	[tilespmem:$0x1C00] =	vst v63  }
0x1ad: {  	_ =	swait.ge [sflag:s31], $0x80  }
0x1ae: {  	[sflag:s31] =	ssyncset.done $0x0  }
0x1af: {  	[sflag:s31] =	ssyncadd.s32 $0xFFFFFF80  }
.LBB2_5:
0x1b0: {  	_ =	sfence.sel $0x180000  }
0x1b1: {  	[bflag:$0x0] =	sbarrier.arrive $0xFFFF  }
0x1b2: {  	p0 =	sne.s32 s1, $0x0;
	_ =	strace $0x90000047  }
0x1b3: {  	s0 =	sadd.s32 @!p0 $0x100000, s0;
	[bflag:$0x2] =	sbarrier.arrive $0xFFFF  }
0x1b4: {  	[sflag:s0] =	ssyncadd.tile.s32 @!p0 $0x1;
	_ =	shalt  }
.Lfunc_end2:
_tile_overlayer_lowered:
.L_overlay_start_2:
0x1b5: {  	(tag) =	ssettag $0x2  }
0x1b6: {  	s0 =	rddreg [dreg:$0x0];
	s2 =	stileid.u32  }
0x1b7: {  	s1 =	rddreg [dreg:$0x1];
	p0 =	sne.s32 s2, $0x0  }
0x1b8: {  	s3 =	rddreg [dreg:$0x2];
	[bflag:$0x3] =	sbarrier.arrive $0xFFFF;
	s2 =	simm.s32 @!p0 $0x1C02  }
0x1b9: {  	[timem:s3], [sflag:s2] =	dma.local @!p0 [hbm:s0], s1  }
0x1ba: {  	s0 =	simm.s32 @!p0 $0x2  }
0x1bb: {  	_ =	swait.ge @!p0 [sflag:s0], s1  }
0x1bc: {  	s1 =	ssub.s32 @!p0 $0x0, s1;
	[sflag:s0] =	ssyncset.done @!p0 $0x0  }
0x1bd: {  	[sflag:s0] =	ssyncadd.s32 @!p0 s1  }
0x1be: {  	[bflag:$0x3] =	sbarrier.arrive $0xFFFF  }
0x1bf: {  	_ =	shalt  }

</sc_bundles>
